<compile_context>
chip_gen: v7x
topology: tpu7x:2x2x1
jax: 0.10.2.dev20260603
libtpu: 0.0.44.dev20260713+nightly
codegen_flags: <defaults>
</compile_context>

<pallas_src>
import functools

import jax
import jax.numpy as jnp
from jax import lax
from jax.experimental import pallas as pl
from jax.experimental.pallas import tpu as pltpu
from jax.experimental.pallas import tpu_sc as plsc

_N = 200
_L = 16
_NC = 2
_NS = 16
_NW = _NC * _NS
_ROWS = 7
_CHUNKS = (_N + _L - 1) // _L
_TOL = 0.01
_NACC = 4


def _loss_body(packed_hbm, out_hbm, pk_v, acc_v, buf_v, part_sh, out_v):
    cid = lax.axis_index("c")
    sid = lax.axis_index("s")

    pltpu.sync_copy(packed_hbm, pk_v)

    jbase = lax.iota(jnp.int32, _L)
    sidvec = jnp.broadcast_to(sid, (_L,)).astype(jnp.int32)

    def row_body(r, accs):
        rrow = cid + 2 * r
        sl_i = pk_v[rrow].at[sidvec].get(mode="promise_in_bounds")
        lab_i = pk_v[32 + rrow].at[sidvec].get(mode="promise_in_bounds")

        accs = list(accs)
        for c in range(_CHUNKS):
            sl_j = pk_v[c]
            lab_j = pk_v[16 + c]
            d = sl_i - sl_j
            mval = jnp.maximum(jnp.sign(lab_i - lab_j - _TOL), 0.0)
            u = jnp.exp(-jnp.abs(d))
            s = u / (u + 2.0)
            s2 = s * s
            p = s * (2.0 + s2 * (2.0 / 3.0 + s2 * (2.0 / 5.0)))
            val = jnp.minimum(d, 0.0) - p
            accs[c % _NACC] = accs[c % _NACC] + mval * val
        return tuple(accs)

    zero = jnp.zeros((_L,), jnp.float32)
    accs = lax.fori_loop(0, _ROWS, row_body, (zero,) * _NACC)
    acc = (accs[0] + accs[1]) + (accs[2] + accs[3])

    for step in (1, 2, 4, 8):
        acc = acc + acc.at[jbase ^ step].get(mode="promise_in_bounds")

    acc_v[...] = acc
    pltpu.sync_copy(acc_v, part_sh.at[sid])
    plsc.subcore_barrier()

    @pl.when(sid == 0)
    def _():
        pltpu.sync_copy(part_sh, buf_v)
        tot = jnp.zeros((_L,), jnp.float32)
        for k in range(_NS):
            tot = tot + buf_v[k]
        out_v[...] = tot
        pltpu.sync_copy(out_v, out_hbm.at[cid])


@jax.jit
def _ranking_loss(packed):
    mesh = plsc.VectorSubcoreMesh(core_axis_name="c", subcore_axis_name="s")
    run = functools.partial(
        pl.kernel, mesh=mesh,
        out_type=jax.ShapeDtypeStruct((_NC, _L), jnp.float32),
        scratch_types=[
            pltpu.VMEM((48, _L), jnp.float32),
            pltpu.VMEM((_L,), jnp.float32),
            pltpu.VMEM((_NS, _L), jnp.float32),
            pltpu.VMEM_SHARED((_NS, _L), jnp.float32),
            pltpu.VMEM((_L,), jnp.float32),
        ],
    )(_loss_body)
    return run(packed)


def kernel(logits, labels):
    pad = 16 * _L - _N
    packed = jnp.concatenate([
        jnp.pad(logits, (0, pad)),
        jnp.pad(labels, (0, pad), constant_values=2.0),
        jnp.pad(labels, (0, pad), constant_values=-1.0),
    ]).reshape(48, _L)
    out = _ranking_loss(packed)
    return out[0, 0] + out[1, 0]

# --- scband reference (transcript-rebuilt; emitter-appended) ---
"""Pipeline reference for scband-ranking-loss-44135083934201 (READ-ONLY COPY).

The authoritative reference and input builder live on the scoring server;
editing this copy changes nothing except your own understanding.
"""

import jax, jax.numpy as jnp
import numpy as np

TOLERANCE = 0.01
N = 200

def setup_inputs(seed: int = 0) -> dict:
    key = jax.random.key(seed)
    k1, k2 = jax.random.split(key)
    logits = jax.random.normal(k1, (N,), dtype=jnp.float32)
    labels = jax.random.uniform(k2, (N,), dtype=jnp.float32)
    return {"logits": logits, "labels": labels}

def reference(logits, labels):
    # Faithful vectorized translation of the O(N^2) pairwise ranking loss.
    # torch: indices = labels.sort(descending=True).indices
    n = logits.shape[0]
    idx = jnp.argsort(labels)[::-1]  # descending order by label
    sl = jnp.take(logits, idx)
    slab = jnp.take(labels, idx)
    # pair (i, j) with i < j corresponds to (high_index, low_index) in the torch loops
    logit_diff = sl[:, None] - sl[None, :]
    label_diff = slab[:, None] - slab[None, :]
    rng = jnp.arange(n)
    upper = rng[:, None] < rng[None, :]
    mask = upper & (jnp.abs(label_diff) > TOLERANCE)
    vals = jnp.log(jax.nn.sigmoid(logit_diff))
    # reduction == 'sum'
    return jnp.sum(jnp.where(mask, vals, jnp.zeros_like(vals)))

if __name__ == "__main__":
    import jax
    _d = setup_inputs()
    print(jax.jit(kernel)(*tuple(_d.values())))

</pallas_src>

<mosaic_0001>
#map = affine_map<(d0, d1) -> (0, 0)>
module attributes {stable_mosaic.version = 14 : i64} {
  func.func @_loss_body(%arg0: i32, %arg1: i32, %arg2: memref<48x16xf32, #tpu.memory_space<hbm>>, %arg3: memref<2x16xf32, #tpu.memory_space<hbm>>, %arg4: memref<48x16xf32, #tpu.memory_space<vmem>>, %arg5: memref<16xf32, #tpu.memory_space<vmem>>, %arg6: memref<16x16xf32, #tpu.memory_space<vmem>>, %arg7: memref<16x16xf32, #tpu.memory_space<vmem_shared>>, %arg8: memref<16xf32, #tpu.memory_space<vmem>>) attributes {dimension_semantics = [#tpu.dimension_semantics<core_parallel>, #tpu.dimension_semantics<subcore_parallel>], iteration_bounds = array<i64: 2, 16>, scalar_prefetch = 0 : i64, scratch_operands = 5 : i64, tpu.core_type = #tpu.core_type<sc_vector_subcore>, window_params = [{transform_indices = #map}, {transform_indices = #map}]} {
    "tpu.region"() ({
      %run_scoped3A = tpu.sem_alloc : memref<!tpu.dma_semaphore, #tpu.memory_space<semaphore_mem>>
      tpu.enqueue_dma source(%arg2 : memref<48x16xf32, #tpu.memory_space<hbm>>) target(%arg4 : memref<48x16xf32, #tpu.memory_space<vmem>>) target_semaphore(%run_scoped3A : memref<!tpu.dma_semaphore, #tpu.memory_space<semaphore_mem>>)
      tpu.wait_dma2 semaphore(%run_scoped3A : memref<!tpu.dma_semaphore, #tpu.memory_space<semaphore_mem>>) src(%arg2 : memref<48x16xf32, #tpu.memory_space<hbm>>) dst(%arg4 : memref<48x16xf32, #tpu.memory_space<vmem>>)
      tpu.yield
    }) : () -> ()
    %iota3A = tpu.iota {dimensions = array<i32: 0>} : vector<16xi32>
    %broadcast_in_dim3A = vector.broadcast %arg1 : i32 to vector<16xi32>
    %broadcast_in_dim3A_0 = arith.constant 0.000000e+00 : f32
    %broadcast_in_dim3A_1 = vector.broadcast %broadcast_in_dim3A_0 : f32 to vector<16xf32>
    %scan3A = arith.constant 0 : i32
    %scan3A_2 = arith.constant 7 : i32
    %scan3A_3 = arith.addi %scan3A, %scan3A_2 : i32
    %scan3A_4 = arith.constant 1 : i32
    %scan3A_5:4 = scf.for %scan3A_66 = %scan3A to %scan3A_3 step %scan3A_4 iter_args(%scan3A_67 = %broadcast_in_dim3A_1, %scan3A_68 = %broadcast_in_dim3A_1, %scan3A_69 = %broadcast_in_dim3A_1, %scan3A_70 = %broadcast_in_dim3A_1) -> (vector<16xf32>, vector<16xf32>, vector<16xf32>, vector<16xf32>)  : i32 {
      %mul3A = arith.constant 2 : i32
      %mul3A_71 = arith.muli %mul3A, %scan3A_66 : i32
      %add3A_72 = arith.addi %arg0, %mul3A_71 : i32
      %get3A = arith.index_cast %add3A_72 : i32 to index
      %get3A_73 = arith.constant 0 : index
      %get3A_74 = tpu.vector_load %arg4[%get3A, %get3A_73] {strides = array<i32>} : memref<48x16xf32, #tpu.memory_space<vmem>>, vector<1x16xf32>,
      %get3A_75 = vector.shape_cast %get3A_74 : vector<1x16xf32> to vector<16xf32>
      %lt3A_76 = arith.constant 0 : i32
      %lt3A_77 = vector.broadcast %lt3A_76 : i32 to vector<16xi32>
      %lt3A_78 = arith.cmpi slt, %broadcast_in_dim3A, %lt3A_77 : vector<16xi32>
      %add3A_79 = arith.constant 16 : i32
      %add3A_80 = vector.broadcast %add3A_79 : i32 to vector<16xi32>
      %add3A_81 = arith.addi %broadcast_in_dim3A, %add3A_80 : vector<16xi32>
      %select_n3A_82 = arith.select %lt3A_78, %add3A_81, %broadcast_in_dim3A : vector<16xi1>, vector<16xi32>
      %broadcast_in_dim3A_83 = vector.shape_cast %select_n3A_82 : vector<16xi32> to vector<16x1xi32>
      %gather3A_84 = vector.shape_cast %broadcast_in_dim3A_83 : vector<16x1xi32> to vector<16xi32>
      %gather3A_85 = tpu.dynamic_gather %get3A_75[%gather3A_84] in [0] : vector<16xf32>, vector<16xi32> -> vector<16xf32>
      %add3A_86 = arith.constant 32 : i32
      %add3A_87 = arith.addi %add3A_86, %add3A_72 : i32
      %get3A_88 = arith.index_cast %add3A_87 : i32 to index
      %get3A_89 = arith.constant 0 : index
      %get3A_90 = tpu.vector_load %arg4[%get3A_88, %get3A_89] {strides = array<i32>} : memref<48x16xf32, #tpu.memory_space<vmem>>, vector<1x16xf32>,
      %get3A_91 = vector.shape_cast %get3A_90 : vector<1x16xf32> to vector<16xf32>
      %lt3A_92 = arith.constant 0 : i32
      %lt3A_93 = vector.broadcast %lt3A_92 : i32 to vector<16xi32>
      %lt3A_94 = arith.cmpi slt, %broadcast_in_dim3A, %lt3A_93 : vector<16xi32>
      %add3A_95 = arith.constant 16 : i32
      %add3A_96 = vector.broadcast %add3A_95 : i32 to vector<16xi32>
      %add3A_97 = arith.addi %broadcast_in_dim3A, %add3A_96 : vector<16xi32>
      %select_n3A_98 = arith.select %lt3A_94, %add3A_97, %broadcast_in_dim3A : vector<16xi1>, vector<16xi32>
      %broadcast_in_dim3A_99 = vector.shape_cast %select_n3A_98 : vector<16xi32> to vector<16x1xi32>
      %gather3A_100 = vector.shape_cast %broadcast_in_dim3A_99 : vector<16x1xi32> to vector<16xi32>
      %gather3A_101 = tpu.dynamic_gather %get3A_91[%gather3A_100] in [0] : vector<16xf32>, vector<16xi32> -> vector<16xf32>
      %get3A_102 = arith.constant 0 : i32
      %get3A_103 = arith.index_cast %get3A_102 : i32 to index
      %get3A_104 = arith.constant 0 : index
      %get3A_105 = tpu.vector_load %arg4[%get3A_103, %get3A_104] {strides = array<i32>} : memref<48x16xf32, #tpu.memory_space<vmem>>, vector<1x16xf32>,
      %get3A_106 = vector.shape_cast %get3A_105 : vector<1x16xf32> to vector<16xf32>
      %get3A_107 = arith.constant 16 : i32
      %get3A_108 = arith.index_cast %get3A_107 : i32 to index
      %get3A_109 = arith.constant 0 : index
      %get3A_110 = tpu.vector_load %arg4[%get3A_108, %get3A_109] {strides = array<i32>} : memref<48x16xf32, #tpu.memory_space<vmem>>, vector<1x16xf32>,
      %get3A_111 = vector.shape_cast %get3A_110 : vector<1x16xf32> to vector<16xf32>
      %sub3A = arith.subf %gather3A_85, %get3A_106 : vector<16xf32>
      %sub3A_112 = arith.subf %gather3A_101, %get3A_111 : vector<16xf32>
      %sub3A_113 = arith.constant 0.00999999977 : f32
      %sub3A_114 = vector.broadcast %sub3A_113 : f32 to vector<16xf32>
      %sub3A_115 = arith.subf %sub3A_112, %sub3A_114 : vector<16xf32>
      %sign3A = tpu.bitcast %sub3A_115 : vector<16xf32> -> vector<16xi32>
      %sign3A_116 = arith.constant -2147483648 : i32
      %sign3A_117 = vector.broadcast %sign3A_116 : i32 to vector<16xi32>
      %sign3A_118 = arith.andi %sign3A, %sign3A_117 : vector<16xi32>
      %sign3A_119 = arith.constant 1065353216 : i32
      %sign3A_120 = vector.broadcast %sign3A_119 : i32 to vector<16xi32>
      %sign3A_121 = arith.ori %sign3A_120, %sign3A_118 : vector<16xi32>
      %sign3A_122 = tpu.bitcast %sign3A_121 : vector<16xi32> -> vector<16xf32>
      %sign3A_123 = math.absf %sub3A_115 : vector<16xf32>
      %sign3A_124 = arith.constant 0.000000e+00 : f32
      %sign3A_125 = vector.broadcast %sign3A_124 : f32 to vector<16xf32>
      %sign3A_126 = arith.cmpf ogt, %sign3A_123, %sign3A_125 : vector<16xf32>
      %sign3A_127 = arith.select %sign3A_126, %sign3A_122, %sub3A_115 : vector<16xi1>, vector<16xf32>
      %max3A = arith.constant 0.000000e+00 : f32
      %max3A_128 = vector.broadcast %max3A : f32 to vector<16xf32>
      %max3A_129 = arith.maximumf %sign3A_127, %max3A_128 : vector<16xf32>
      %abs3A = math.absf %sub3A : vector<16xf32>
      %neg3A = arith.constant 0.000000e+00 : f32
      %neg3A_130 = vector.broadcast %neg3A : f32 to vector<16xf32>
      %neg3A_131 = arith.subf %neg3A_130, %abs3A : vector<16xf32>
      %exp3A = math.exp %neg3A_131 : vector<16xf32>
      %add3A_132 = arith.constant 2.000000e+00 : f32
      %add3A_133 = vector.broadcast %add3A_132 : f32 to vector<16xf32>
      %add3A_134 = arith.addf %exp3A, %add3A_133 : vector<16xf32>
      %div3A = arith.divf %exp3A, %add3A_134 : vector<16xf32>
      %mul3A_135 = arith.mulf %div3A, %div3A : vector<16xf32>
      %mul3A_136 = arith.constant 4.000000e-01 : f32
      %mul3A_137 = vector.broadcast %mul3A_136 : f32 to vector<16xf32>
      %mul3A_138 = arith.mulf %mul3A_135, %mul3A_137 : vector<16xf32>
      %add3A_139 = arith.constant 0.666666686 : f32
      %add3A_140 = vector.broadcast %add3A_139 : f32 to vector<16xf32>
      %add3A_141 = arith.addf %add3A_140, %mul3A_138 : vector<16xf32>
      %mul3A_142 = arith.mulf %mul3A_135, %add3A_141 : vector<16xf32>
      %add3A_143 = arith.constant 2.000000e+00 : f32
      %add3A_144 = vector.broadcast %add3A_143 : f32 to vector<16xf32>
      %add3A_145 = arith.addf %add3A_144, %mul3A_142 : vector<16xf32>
      %mul3A_146 = arith.mulf %div3A, %add3A_145 : vector<16xf32>
      %min3A = arith.constant 0.000000e+00 : f32
      %min3A_147 = vector.broadcast %min3A : f32 to vector<16xf32>
      %min3A_148 = arith.minimumf %sub3A, %min3A_147 : vector<16xf32>
      %sub3A_149 = arith.subf %min3A_148, %mul3A_146 : vector<16xf32>
      %mul3A_150 = arith.mulf %max3A_129, %sub3A_149 : vector<16xf32>
      %add3A_151 = arith.addf %scan3A_67, %mul3A_150 : vector<16xf32>
      %get3A_152 = arith.constant 1 : i32
      %get3A_153 = arith.index_cast %get3A_152 : i32 to index
      %get3A_154 = arith.constant 0 : index
      %get3A_155 = tpu.vector_load %arg4[%get3A_153, %get3A_154] {strides = array<i32>} : memref<48x16xf32, #tpu.memory_space<vmem>>, vector<1x16xf32>,
      %get3A_156 = vector.shape_cast %get3A_155 : vector<1x16xf32> to vector<16xf32>
      %get3A_157 = arith.constant 17 : i32
      %get3A_158 = arith.index_cast %get3A_157 : i32 to index
      %get3A_159 = arith.constant 0 : index
      %get3A_160 = tpu.vector_load %arg4[%get3A_158, %get3A_159] {strides = array<i32>} : memref<48x16xf32, #tpu.memory_space<vmem>>, vector<1x16xf32>,
      %get3A_161 = vector.shape_cast %get3A_160 : vector<1x16xf32> to vector<16xf32>
      %sub3A_162 = arith.subf %gather3A_85, %get3A_156 : vector<16xf32>
      %sub3A_163 = arith.subf %gather3A_101, %get3A_161 : vector<16xf32>
      %sub3A_164 = arith.constant 0.00999999977 : f32
      %sub3A_165 = vector.broadcast %sub3A_164 : f32 to vector<16xf32>
      %sub3A_166 = arith.subf %sub3A_163, %sub3A_165 : vector<16xf32>
      %sign3A_167 = tpu.bitcast %sub3A_166 : vector<16xf32> -> vector<16xi32>
      %sign3A_168 = arith.constant -2147483648 : i32
      %sign3A_169 = vector.broadcast %sign3A_168 : i32 to vector<16xi32>
      %sign3A_170 = arith.andi %sign3A_167, %sign3A_169 : vector<16xi32>
      %sign3A_171 = arith.constant 1065353216 : i32
      %sign3A_172 = vector.broadcast %sign3A_171 : i32 to vector<16xi32>
      %sign3A_173 = arith.ori %sign3A_172, %sign3A_170 : vector<16xi32>
      %sign3A_174 = tpu.bitcast %sign3A_173 : vector<16xi32> -> vector<16xf32>
      %sign3A_175 = math.absf %sub3A_166 : vector<16xf32>
      %sign3A_176 = arith.constant 0.000000e+00 : f32
      %sign3A_177 = vector.broadcast %sign3A_176 : f32 to vector<16xf32>
      %sign3A_178 = arith.cmpf ogt, %sign3A_175, %sign3A_177 : vector<16xf32>
      %sign3A_179 = arith.select %sign3A_178, %sign3A_174, %sub3A_166 : vector<16xi1>, vector<16xf32>
      %max3A_180 = arith.constant 0.000000e+00 : f32
      %max3A_181 = vector.broadcast %max3A_180 : f32 to vector<16xf32>
      %max3A_182 = arith.maximumf %sign3A_179, %max3A_181 : vector<16xf32>
      %abs3A_183 = math.absf %sub3A_162 : vector<16xf32>
      %neg3A_184 = arith.constant 0.000000e+00 : f32
      %neg3A_185 = vector.broadcast %neg3A_184 : f32 to vector<16xf32>
      %neg3A_186 = arith.subf %neg3A_185, %abs3A_183 : vector<16xf32>
      %exp3A_187 = math.exp %neg3A_186 : vector<16xf32>
      %add3A_188 = arith.constant 2.000000e+00 : f32
      %add3A_189 = vector.broadcast %add3A_188 : f32 to vector<16xf32>
      %add3A_190 = arith.addf %exp3A_187, %add3A_189 : vector<16xf32>
      %div3A_191 = arith.divf %exp3A_187, %add3A_190 : vector<16xf32>
      %mul3A_192 = arith.mulf %div3A_191, %div3A_191 : vector<16xf32>
      %mul3A_193 = arith.constant 4.000000e-01 : f32
      %mul3A_194 = vector.broadcast %mul3A_193 : f32 to vector<16xf32>
      %mul3A_195 = arith.mulf %mul3A_192, %mul3A_194 : vector<16xf32>
      %add3A_196 = arith.constant 0.666666686 : f32
      %add3A_197 = vector.broadcast %add3A_196 : f32 to vector<16xf32>
      %add3A_198 = arith.addf %add3A_197, %mul3A_195 : vector<16xf32>
      %mul3A_199 = arith.mulf %mul3A_192, %add3A_198 : vector<16xf32>
      %add3A_200 = arith.constant 2.000000e+00 : f32
      %add3A_201 = vector.broadcast %add3A_200 : f32 to vector<16xf32>
      %add3A_202 = arith.addf %add3A_201, %mul3A_199 : vector<16xf32>
      %mul3A_203 = arith.mulf %div3A_191, %add3A_202 : vector<16xf32>
      %min3A_204 = arith.constant 0.000000e+00 : f32
      %min3A_205 = vector.broadcast %min3A_204 : f32 to vector<16xf32>
      %min3A_206 = arith.minimumf %sub3A_162, %min3A_205 : vector<16xf32>
      %sub3A_207 = arith.subf %min3A_206, %mul3A_203 : vector<16xf32>
      %mul3A_208 = arith.mulf %max3A_182, %sub3A_207 : vector<16xf32>
      %add3A_209 = arith.addf %scan3A_68, %mul3A_208 : vector<16xf32>
      %get3A_210 = arith.constant 2 : i32
      %get3A_211 = arith.index_cast %get3A_210 : i32 to index
      %get3A_212 = arith.constant 0 : index
      %get3A_213 = tpu.vector_load %arg4[%get3A_211, %get3A_212] {strides = array<i32>} : memref<48x16xf32, #tpu.memory_space<vmem>>, vector<1x16xf32>,
      %get3A_214 = vector.shape_cast %get3A_213 : vector<1x16xf32> to vector<16xf32>
      %get3A_215 = arith.constant 18 : i32
      %get3A_216 = arith.index_cast %get3A_215 : i32 to index
      %get3A_217 = arith.constant 0 : index
      %get3A_218 = tpu.vector_load %arg4[%get3A_216, %get3A_217] {strides = array<i32>} : memref<48x16xf32, #tpu.memory_space<vmem>>, vector<1x16xf32>,
      %get3A_219 = vector.shape_cast %get3A_218 : vector<1x16xf32> to vector<16xf32>
      %sub3A_220 = arith.subf %gather3A_85, %get3A_214 : vector<16xf32>
      %sub3A_221 = arith.subf %gather3A_101, %get3A_219 : vector<16xf32>
      %sub3A_222 = arith.constant 0.00999999977 : f32
      %sub3A_223 = vector.broadcast %sub3A_222 : f32 to vector<16xf32>
      %sub3A_224 = arith.subf %sub3A_221, %sub3A_223 : vector<16xf32>
      %sign3A_225 = tpu.bitcast %sub3A_224 : vector<16xf32> -> vector<16xi32>
      %sign3A_226 = arith.constant -2147483648 : i32
      %sign3A_227 = vector.broadcast %sign3A_226 : i32 to vector<16xi32>
      %sign3A_228 = arith.andi %sign3A_225, %sign3A_227 : vector<16xi32>
      %sign3A_229 = arith.constant 1065353216 : i32
      %sign3A_230 = vector.broadcast %sign3A_229 : i32 to vector<16xi32>
      %sign3A_231 = arith.ori %sign3A_230, %sign3A_228 : vector<16xi32>
      %sign3A_232 = tpu.bitcast %sign3A_231 : vector<16xi32> -> vector<16xf32>
      %sign3A_233 = math.absf %sub3A_224 : vector<16xf32>
      %sign3A_234 = arith.constant 0.000000e+00 : f32
      %sign3A_235 = vector.broadcast %sign3A_234 : f32 to vector<16xf32>
      %sign3A_236 = arith.cmpf ogt, %sign3A_233, %sign3A_235 : vector<16xf32>
      %sign3A_237 = arith.select %sign3A_236, %sign3A_232, %sub3A_224 : vector<16xi1>, vector<16xf32>
      %max3A_238 = arith.constant 0.000000e+00 : f32
      %max3A_239 = vector.broadcast %max3A_238 : f32 to vector<16xf32>
      %max3A_240 = arith.maximumf %sign3A_237, %max3A_239 : vector<16xf32>
      %abs3A_241 = math.absf %sub3A_220 : vector<16xf32>
      %neg3A_242 = arith.constant 0.000000e+00 : f32
      %neg3A_243 = vector.broadcast %neg3A_242 : f32 to vector<16xf32>
      %neg3A_244 = arith.subf %neg3A_243, %abs3A_241 : vector<16xf32>
      %exp3A_245 = math.exp %neg3A_244 : vector<16xf32>
      %add3A_246 = arith.constant 2.000000e+00 : f32
      %add3A_247 = vector.broadcast %add3A_246 : f32 to vector<16xf32>
      %add3A_248 = arith.addf %exp3A_245, %add3A_247 : vector<16xf32>
      %div3A_249 = arith.divf %exp3A_245, %add3A_248 : vector<16xf32>
      %mul3A_250 = arith.mulf %div3A_249, %div3A_249 : vector<16xf32>
      %mul3A_251 = arith.constant 4.000000e-01 : f32
      %mul3A_252 = vector.broadcast %mul3A_251 : f32 to vector<16xf32>
      %mul3A_253 = arith.mulf %mul3A_250, %mul3A_252 : vector<16xf32>
      %add3A_254 = arith.constant 0.666666686 : f32
      %add3A_255 = vector.broadcast %add3A_254 : f32 to vector<16xf32>
      %add3A_256 = arith.addf %add3A_255, %mul3A_253 : vector<16xf32>
      %mul3A_257 = arith.mulf %mul3A_250, %add3A_256 : vector<16xf32>
      %add3A_258 = arith.constant 2.000000e+00 : f32
      %add3A_259 = vector.broadcast %add3A_258 : f32 to vector<16xf32>
      %add3A_260 = arith.addf %add3A_259, %mul3A_257 : vector<16xf32>
      %mul3A_261 = arith.mulf %div3A_249, %add3A_260 : vector<16xf32>
      %min3A_262 = arith.constant 0.000000e+00 : f32
      %min3A_263 = vector.broadcast %min3A_262 : f32 to vector<16xf32>
      %min3A_264 = arith.minimumf %sub3A_220, %min3A_263 : vector<16xf32>
      %sub3A_265 = arith.subf %min3A_264, %mul3A_261 : vector<16xf32>
      %mul3A_266 = arith.mulf %max3A_240, %sub3A_265 : vector<16xf32>
      %add3A_267 = arith.addf %scan3A_69, %mul3A_266 : vector<16xf32>
      %get3A_268 = arith.constant 3 : i32
      %get3A_269 = arith.index_cast %get3A_268 : i32 to index
      %get3A_270 = arith.constant 0 : index
      %get3A_271 = tpu.vector_load %arg4[%get3A_269, %get3A_270] {strides = array<i32>} : memref<48x16xf32, #tpu.memory_space<vmem>>, vector<1x16xf32>,
      %get3A_272 = vector.shape_cast %get3A_271 : vector<1x16xf32> to vector<16xf32>
      %get3A_273 = arith.constant 19 : i32
      %get3A_274 = arith.index_cast %get3A_273 : i32 to index
      %get3A_275 = arith.constant 0 : index
      %get3A_276 = tpu.vector_load %arg4[%get3A_274, %get3A_275] {strides = array<i32>} : memref<48x16xf32, #tpu.memory_space<vmem>>, vector<1x16xf32>,
      %get3A_277 = vector.shape_cast %get3A_276 : vector<1x16xf32> to vector<16xf32>
      %sub3A_278 = arith.subf %gather3A_85, %get3A_272 : vector<16xf32>
      %sub3A_279 = arith.subf %gather3A_101, %get3A_277 : vector<16xf32>
      %sub3A_280 = arith.constant 0.00999999977 : f32
      %sub3A_281 = vector.broadcast %sub3A_280 : f32 to vector<16xf32>
      %sub3A_282 = arith.subf %sub3A_279, %sub3A_281 : vector<16xf32>
      %sign3A_283 = tpu.bitcast %sub3A_282 : vector<16xf32> -> vector<16xi32>
      %sign3A_284 = arith.constant -2147483648 : i32
      %sign3A_285 = vector.broadcast %sign3A_284 : i32 to vector<16xi32>
      %sign3A_286 = arith.andi %sign3A_283, %sign3A_285 : vector<16xi32>
      %sign3A_287 = arith.constant 1065353216 : i32
      %sign3A_288 = vector.broadcast %sign3A_287 : i32 to vector<16xi32>
      %sign3A_289 = arith.ori %sign3A_288, %sign3A_286 : vector<16xi32>
      %sign3A_290 = tpu.bitcast %sign3A_289 : vector<16xi32> -> vector<16xf32>
      %sign3A_291 = math.absf %sub3A_282 : vector<16xf32>
      %sign3A_292 = arith.constant 0.000000e+00 : f32
      %sign3A_293 = vector.broadcast %sign3A_292 : f32 to vector<16xf32>
      %sign3A_294 = arith.cmpf ogt, %sign3A_291, %sign3A_293 : vector<16xf32>
      %sign3A_295 = arith.select %sign3A_294, %sign3A_290, %sub3A_282 : vector<16xi1>, vector<16xf32>
      %max3A_296 = arith.constant 0.000000e+00 : f32
      %max3A_297 = vector.broadcast %max3A_296 : f32 to vector<16xf32>
      %max3A_298 = arith.maximumf %sign3A_295, %max3A_297 : vector<16xf32>
      %abs3A_299 = math.absf %sub3A_278 : vector<16xf32>
      %neg3A_300 = arith.constant 0.000000e+00 : f32
      %neg3A_301 = vector.broadcast %neg3A_300 : f32 to vector<16xf32>
      %neg3A_302 = arith.subf %neg3A_301, %abs3A_299 : vector<16xf32>
      %exp3A_303 = math.exp %neg3A_302 : vector<16xf32>
      %add3A_304 = arith.constant 2.000000e+00 : f32
      %add3A_305 = vector.broadcast %add3A_304 : f32 to vector<16xf32>
      %add3A_306 = arith.addf %exp3A_303, %add3A_305 : vector<16xf32>
      %div3A_307 = arith.divf %exp3A_303, %add3A_306 : vector<16xf32>
      %mul3A_308 = arith.mulf %div3A_307, %div3A_307 : vector<16xf32>
      %mul3A_309 = arith.constant 4.000000e-01 : f32
      %mul3A_310 = vector.broadcast %mul3A_309 : f32 to vector<16xf32>
      %mul3A_311 = arith.mulf %mul3A_308, %mul3A_310 : vector<16xf32>
      %add3A_312 = arith.constant 0.666666686 : f32
      %add3A_313 = vector.broadcast %add3A_312 : f32 to vector<16xf32>
      %add3A_314 = arith.addf %add3A_313, %mul3A_311 : vector<16xf32>
      %mul3A_315 = arith.mulf %mul3A_308, %add3A_314 : vector<16xf32>
      %add3A_316 = arith.constant 2.000000e+00 : f32
      %add3A_317 = vector.broadcast %add3A_316 : f32 to vector<16xf32>
      %add3A_318 = arith.addf %add3A_317, %mul3A_315 : vector<16xf32>
      %mul3A_319 = arith.mulf %div3A_307, %add3A_318 : vector<16xf32>
      %min3A_320 = arith.constant 0.000000e+00 : f32
      %min3A_321 = vector.broadcast %min3A_320 : f32 to vector<16xf32>
      %min3A_322 = arith.minimumf %sub3A_278, %min3A_321 : vector<16xf32>
      %sub3A_323 = arith.subf %min3A_322, %mul3A_319 : vector<16xf32>
      %mul3A_324 = arith.mulf %max3A_298, %sub3A_323 : vector<16xf32>
      %add3A_325 = arith.addf %scan3A_70, %mul3A_324 : vector<16xf32>
      %get3A_326 = arith.constant 4 : i32
      %get3A_327 = arith.index_cast %get3A_326 : i32 to index
      %get3A_328 = arith.constant 0 : index
      %get3A_329 = tpu.vector_load %arg4[%get3A_327, %get3A_328] {strides = array<i32>} : memref<48x16xf32, #tpu.memory_space<vmem>>, vector<1x16xf32>,
      %get3A_330 = vector.shape_cast %get3A_329 : vector<1x16xf32> to vector<16xf32>
      %get3A_331 = arith.constant 20 : i32
      %get3A_332 = arith.index_cast %get3A_331 : i32 to index
      %get3A_333 = arith.constant 0 : index
      %get3A_334 = tpu.vector_load %arg4[%get3A_332, %get3A_333] {strides = array<i32>} : memref<48x16xf32, #tpu.memory_space<vmem>>, vector<1x16xf32>,
      %get3A_335 = vector.shape_cast %get3A_334 : vector<1x16xf32> to vector<16xf32>
      %sub3A_336 = arith.subf %gather3A_85, %get3A_330 : vector<16xf32>
      %sub3A_337 = arith.subf %gather3A_101, %get3A_335 : vector<16xf32>
      %sub3A_338 = arith.constant 0.00999999977 : f32
      %sub3A_339 = vector.broadcast %sub3A_338 : f32 to vector<16xf32>
      %sub3A_340 = arith.subf %sub3A_337, %sub3A_339 : vector<16xf32>
      %sign3A_341 = tpu.bitcast %sub3A_340 : vector<16xf32> -> vector<16xi32>
      %sign3A_342 = arith.constant -2147483648 : i32
      %sign3A_343 = vector.broadcast %sign3A_342 : i32 to vector<16xi32>
      %sign3A_344 = arith.andi %sign3A_341, %sign3A_343 : vector<16xi32>
      %sign3A_345 = arith.constant 1065353216 : i32
      %sign3A_346 = vector.broadcast %sign3A_345 : i32 to vector<16xi32>
      %sign3A_347 = arith.ori %sign3A_346, %sign3A_344 : vector<16xi32>
      %sign3A_348 = tpu.bitcast %sign3A_347 : vector<16xi32> -> vector<16xf32>
      %sign3A_349 = math.absf %sub3A_340 : vector<16xf32>
      %sign3A_350 = arith.constant 0.000000e+00 : f32
      %sign3A_351 = vector.broadcast %sign3A_350 : f32 to vector<16xf32>
      %sign3A_352 = arith.cmpf ogt, %sign3A_349, %sign3A_351 : vector<16xf32>
      %sign3A_353 = arith.select %sign3A_352, %sign3A_348, %sub3A_340 : vector<16xi1>, vector<16xf32>
      %max3A_354 = arith.constant 0.000000e+00 : f32
      %max3A_355 = vector.broadcast %max3A_354 : f32 to vector<16xf32>
      %max3A_356 = arith.maximumf %sign3A_353, %max3A_355 : vector<16xf32>
      %abs3A_357 = math.absf %sub3A_336 : vector<16xf32>
      %neg3A_358 = arith.constant 0.000000e+00 : f32
      %neg3A_359 = vector.broadcast %neg3A_358 : f32 to vector<16xf32>
      %neg3A_360 = arith.subf %neg3A_359, %abs3A_357 : vector<16xf32>
      %exp3A_361 = math.exp %neg3A_360 : vector<16xf32>
      %add3A_362 = arith.constant 2.000000e+00 : f32
      %add3A_363 = vector.broadcast %add3A_362 : f32 to vector<16xf32>
      %add3A_364 = arith.addf %exp3A_361, %add3A_363 : vector<16xf32>
      %div3A_365 = arith.divf %exp3A_361, %add3A_364 : vector<16xf32>
      %mul3A_366 = arith.mulf %div3A_365, %div3A_365 : vector<16xf32>
      %mul3A_367 = arith.constant 4.000000e-01 : f32
      %mul3A_368 = vector.broadcast %mul3A_367 : f32 to vector<16xf32>
      %mul3A_369 = arith.mulf %mul3A_366, %mul3A_368 : vector<16xf32>
      %add3A_370 = arith.constant 0.666666686 : f32
      %add3A_371 = vector.broadcast %add3A_370 : f32 to vector<16xf32>
      %add3A_372 = arith.addf %add3A_371, %mul3A_369 : vector<16xf32>
      %mul3A_373 = arith.mulf %mul3A_366, %add3A_372 : vector<16xf32>
      %add3A_374 = arith.constant 2.000000e+00 : f32
      %add3A_375 = vector.broadcast %add3A_374 : f32 to vector<16xf32>
      %add3A_376 = arith.addf %add3A_375, %mul3A_373 : vector<16xf32>
      %mul3A_377 = arith.mulf %div3A_365, %add3A_376 : vector<16xf32>
      %min3A_378 = arith.constant 0.000000e+00 : f32
      %min3A_379 = vector.broadcast %min3A_378 : f32 to vector<16xf32>
      %min3A_380 = arith.minimumf %sub3A_336, %min3A_379 : vector<16xf32>
      %sub3A_381 = arith.subf %min3A_380, %mul3A_377 : vector<16xf32>
      %mul3A_382 = arith.mulf %max3A_356, %sub3A_381 : vector<16xf32>
      %add3A_383 = arith.addf %add3A_151, %mul3A_382 : vector<16xf32>
      %get3A_384 = arith.constant 5 : i32
      %get3A_385 = arith.index_cast %get3A_384 : i32 to index
      %get3A_386 = arith.constant 0 : index
      %get3A_387 = tpu.vector_load %arg4[%get3A_385, %get3A_386] {strides = array<i32>} : memref<48x16xf32, #tpu.memory_space<vmem>>, vector<1x16xf32>,
      %get3A_388 = vector.shape_cast %get3A_387 : vector<1x16xf32> to vector<16xf32>
      %get3A_389 = arith.constant 21 : i32
      %get3A_390 = arith.index_cast %get3A_389 : i32 to index
      %get3A_391 = arith.constant 0 : index
      %get3A_392 = tpu.vector_load %arg4[%get3A_390, %get3A_391] {strides = array<i32>} : memref<48x16xf32, #tpu.memory_space<vmem>>, vector<1x16xf32>,
      %get3A_393 = vector.shape_cast %get3A_392 : vector<1x16xf32> to vector<16xf32>
      %sub3A_394 = arith.subf %gather3A_85, %get3A_388 : vector<16xf32>
      %sub3A_395 = arith.subf %gather3A_101, %get3A_393 : vector<16xf32>
      %sub3A_396 = arith.constant 0.00999999977 : f32
      %sub3A_397 = vector.broadcast %sub3A_396 : f32 to vector<16xf32>
      %sub3A_398 = arith.subf %sub3A_395, %sub3A_397 : vector<16xf32>
      %sign3A_399 = tpu.bitcast %sub3A_398 : vector<16xf32> -> vector<16xi32>
      %sign3A_400 = arith.constant -2147483648 : i32
      %sign3A_401 = vector.broadcast %sign3A_400 : i32 to vector<16xi32>
      %sign3A_402 = arith.andi %sign3A_399, %sign3A_401 : vector<16xi32>
      %sign3A_403 = arith.constant 1065353216 : i32
      %sign3A_404 = vector.broadcast %sign3A_403 : i32 to vector<16xi32>
      %sign3A_405 = arith.ori %sign3A_404, %sign3A_402 : vector<16xi32>
      %sign3A_406 = tpu.bitcast %sign3A_405 : vector<16xi32> -> vector<16xf32>
      %sign3A_407 = math.absf %sub3A_398 : vector<16xf32>
      %sign3A_408 = arith.constant 0.000000e+00 : f32
      %sign3A_409 = vector.broadcast %sign3A_408 : f32 to vector<16xf32>
      %sign3A_410 = arith.cmpf ogt, %sign3A_407, %sign3A_409 : vector<16xf32>
      %sign3A_411 = arith.select %sign3A_410, %sign3A_406, %sub3A_398 : vector<16xi1>, vector<16xf32>
      %max3A_412 = arith.constant 0.000000e+00 : f32
      %max3A_413 = vector.broadcast %max3A_412 : f32 to vector<16xf32>
      %max3A_414 = arith.maximumf %sign3A_411, %max3A_413 : vector<16xf32>
      %abs3A_415 = math.absf %sub3A_394 : vector<16xf32>
      %neg3A_416 = arith.constant 0.000000e+00 : f32
      %neg3A_417 = vector.broadcast %neg3A_416 : f32 to vector<16xf32>
      %neg3A_418 = arith.subf %neg3A_417, %abs3A_415 : vector<16xf32>
      %exp3A_419 = math.exp %neg3A_418 : vector<16xf32>
      %add3A_420 = arith.constant 2.000000e+00 : f32
      %add3A_421 = vector.broadcast %add3A_420 : f32 to vector<16xf32>
      %add3A_422 = arith.addf %exp3A_419, %add3A_421 : vector<16xf32>
      %div3A_423 = arith.divf %exp3A_419, %add3A_422 : vector<16xf32>
      %mul3A_424 = arith.mulf %div3A_423, %div3A_423 : vector<16xf32>
      %mul3A_425 = arith.constant 4.000000e-01 : f32
      %mul3A_426 = vector.broadcast %mul3A_425 : f32 to vector<16xf32>
      %mul3A_427 = arith.mulf %mul3A_424, %mul3A_426 : vector<16xf32>
      %add3A_428 = arith.constant 0.666666686 : f32
      %add3A_429 = vector.broadcast %add3A_428 : f32 to vector<16xf32>
      %add3A_430 = arith.addf %add3A_429, %mul3A_427 : vector<16xf32>
      %mul3A_431 = arith.mulf %mul3A_424, %add3A_430 : vector<16xf32>
      %add3A_432 = arith.constant 2.000000e+00 : f32
      %add3A_433 = vector.broadcast %add3A_432 : f32 to vector<16xf32>
      %add3A_434 = arith.addf %add3A_433, %mul3A_431 : vector<16xf32>
      %mul3A_435 = arith.mulf %div3A_423, %add3A_434 : vector<16xf32>
      %min3A_436 = arith.constant 0.000000e+00 : f32
      %min3A_437 = vector.broadcast %min3A_436 : f32 to vector<16xf32>
      %min3A_438 = arith.minimumf %sub3A_394, %min3A_437 : vector<16xf32>
      %sub3A_439 = arith.subf %min3A_438, %mul3A_435 : vector<16xf32>
      %mul3A_440 = arith.mulf %max3A_414, %sub3A_439 : vector<16xf32>
      %add3A_441 = arith.addf %add3A_209, %mul3A_440 : vector<16xf32>
      %get3A_442 = arith.constant 6 : i32
      %get3A_443 = arith.index_cast %get3A_442 : i32 to index
      %get3A_444 = arith.constant 0 : index
      %get3A_445 = tpu.vector_load %arg4[%get3A_443, %get3A_444] {strides = array<i32>} : memref<48x16xf32, #tpu.memory_space<vmem>>, vector<1x16xf32>,
      %get3A_446 = vector.shape_cast %get3A_445 : vector<1x16xf32> to vector<16xf32>
      %get3A_447 = arith.constant 22 : i32
      %get3A_448 = arith.index_cast %get3A_447 : i32 to index
      %get3A_449 = arith.constant 0 : index
      %get3A_450 = tpu.vector_load %arg4[%get3A_448, %get3A_449] {strides = array<i32>} : memref<48x16xf32, #tpu.memory_space<vmem>>, vector<1x16xf32>,
      %get3A_451 = vector.shape_cast %get3A_450 : vector<1x16xf32> to vector<16xf32>
      %sub3A_452 = arith.subf %gather3A_85, %get3A_446 : vector<16xf32>
      %sub3A_453 = arith.subf %gather3A_101, %get3A_451 : vector<16xf32>
      %sub3A_454 = arith.constant 0.00999999977 : f32
      %sub3A_455 = vector.broadcast %sub3A_454 : f32 to vector<16xf32>
      %sub3A_456 = arith.subf %sub3A_453, %sub3A_455 : vector<16xf32>
      %sign3A_457 = tpu.bitcast %sub3A_456 : vector<16xf32> -> vector<16xi32>
      %sign3A_458 = arith.constant -2147483648 : i32
      %sign3A_459 = vector.broadcast %sign3A_458 : i32 to vector<16xi32>
      %sign3A_460 = arith.andi %sign3A_457, %sign3A_459 : vector<16xi32>
      %sign3A_461 = arith.constant 1065353216 : i32
      %sign3A_462 = vector.broadcast %sign3A_461 : i32 to vector<16xi32>
      %sign3A_463 = arith.ori %sign3A_462, %sign3A_460 : vector<16xi32>
      %sign3A_464 = tpu.bitcast %sign3A_463 : vector<16xi32> -> vector<16xf32>
      %sign3A_465 = math.absf %sub3A_456 : vector<16xf32>
      %sign3A_466 = arith.constant 0.000000e+00 : f32
      %sign3A_467 = vector.broadcast %sign3A_466 : f32 to vector<16xf32>
      %sign3A_468 = arith.cmpf ogt, %sign3A_465, %sign3A_467 : vector<16xf32>
      %sign3A_469 = arith.select %sign3A_468, %sign3A_464, %sub3A_456 : vector<16xi1>, vector<16xf32>
      %max3A_470 = arith.constant 0.000000e+00 : f32
      %max3A_471 = vector.broadcast %max3A_470 : f32 to vector<16xf32>
      %max3A_472 = arith.maximumf %sign3A_469, %max3A_471 : vector<16xf32>
      %abs3A_473 = math.absf %sub3A_452 : vector<16xf32>
      %neg3A_474 = arith.constant 0.000000e+00 : f32
      %neg3A_475 = vector.broadcast %neg3A_474 : f32 to vector<16xf32>
      %neg3A_476 = arith.subf %neg3A_475, %abs3A_473 : vector<16xf32>
      %exp3A_477 = math.exp %neg3A_476 : vector<16xf32>
      %add3A_478 = arith.constant 2.000000e+00 : f32
      %add3A_479 = vector.broadcast %add3A_478 : f32 to vector<16xf32>
      %add3A_480 = arith.addf %exp3A_477, %add3A_479 : vector<16xf32>
      %div3A_481 = arith.divf %exp3A_477, %add3A_480 : vector<16xf32>
      %mul3A_482 = arith.mulf %div3A_481, %div3A_481 : vector<16xf32>
      %mul3A_483 = arith.constant 4.000000e-01 : f32
      %mul3A_484 = vector.broadcast %mul3A_483 : f32 to vector<16xf32>
      %mul3A_485 = arith.mulf %mul3A_482, %mul3A_484 : vector<16xf32>
      %add3A_486 = arith.constant 0.666666686 : f32
      %add3A_487 = vector.broadcast %add3A_486 : f32 to vector<16xf32>
      %add3A_488 = arith.addf %add3A_487, %mul3A_485 : vector<16xf32>
      %mul3A_489 = arith.mulf %mul3A_482, %add3A_488 : vector<16xf32>
      %add3A_490 = arith.constant 2.000000e+00 : f32
      %add3A_491 = vector.broadcast %add3A_490 : f32 to vector<16xf32>
      %add3A_492 = arith.addf %add3A_491, %mul3A_489 : vector<16xf32>
      %mul3A_493 = arith.mulf %div3A_481, %add3A_492 : vector<16xf32>
      %min3A_494 = arith.constant 0.000000e+00 : f32
      %min3A_495 = vector.broadcast %min3A_494 : f32 to vector<16xf32>
      %min3A_496 = arith.minimumf %sub3A_452, %min3A_495 : vector<16xf32>
      %sub3A_497 = arith.subf %min3A_496, %mul3A_493 : vector<16xf32>
      %mul3A_498 = arith.mulf %max3A_472, %sub3A_497 : vector<16xf32>
      %add3A_499 = arith.addf %add3A_267, %mul3A_498 : vector<16xf32>
      %get3A_500 = arith.constant 7 : i32
      %get3A_501 = arith.index_cast %get3A_500 : i32 to index
      %get3A_502 = arith.constant 0 : index
      %get3A_503 = tpu.vector_load %arg4[%get3A_501, %get3A_502] {strides = array<i32>} : memref<48x16xf32, #tpu.memory_space<vmem>>, vector<1x16xf32>,
      %get3A_504 = vector.shape_cast %get3A_503 : vector<1x16xf32> to vector<16xf32>
      %get3A_505 = arith.constant 23 : i32
      %get3A_506 = arith.index_cast %get3A_505 : i32 to index
      %get3A_507 = arith.constant 0 : index
      %get3A_508 = tpu.vector_load %arg4[%get3A_506, %get3A_507] {strides = array<i32>} : memref<48x16xf32, #tpu.memory_space<vmem>>, vector<1x16xf32>,
      %get3A_509 = vector.shape_cast %get3A_508 : vector<1x16xf32> to vector<16xf32>
      %sub3A_510 = arith.subf %gather3A_85, %get3A_504 : vector<16xf32>
      %sub3A_511 = arith.subf %gather3A_101, %get3A_509 : vector<16xf32>
      %sub3A_512 = arith.constant 0.00999999977 : f32
      %sub3A_513 = vector.broadcast %sub3A_512 : f32 to vector<16xf32>
      %sub3A_514 = arith.subf %sub3A_511, %sub3A_513 : vector<16xf32>
      %sign3A_515 = tpu.bitcast %sub3A_514 : vector<16xf32> -> vector<16xi32>
      %sign3A_516 = arith.constant -2147483648 : i32
      %sign3A_517 = vector.broadcast %sign3A_516 : i32 to vector<16xi32>
      %sign3A_518 = arith.andi %sign3A_515, %sign3A_517 : vector<16xi32>
      %sign3A_519 = arith.constant 1065353216 : i32
      %sign3A_520 = vector.broadcast %sign3A_519 : i32 to vector<16xi32>
      %sign3A_521 = arith.ori %sign3A_520, %sign3A_518 : vector<16xi32>
      %sign3A_522 = tpu.bitcast %sign3A_521 : vector<16xi32> -> vector<16xf32>
      %sign3A_523 = math.absf %sub3A_514 : vector<16xf32>
      %sign3A_524 = arith.constant 0.000000e+00 : f32
      %sign3A_525 = vector.broadcast %sign3A_524 : f32 to vector<16xf32>
      %sign3A_526 = arith.cmpf ogt, %sign3A_523, %sign3A_525 : vector<16xf32>
      %sign3A_527 = arith.select %sign3A_526, %sign3A_522, %sub3A_514 : vector<16xi1>, vector<16xf32>
      %max3A_528 = arith.constant 0.000000e+00 : f32
      %max3A_529 = vector.broadcast %max3A_528 : f32 to vector<16xf32>
      %max3A_530 = arith.maximumf %sign3A_527, %max3A_529 : vector<16xf32>
      %abs3A_531 = math.absf %sub3A_510 : vector<16xf32>
      %neg3A_532 = arith.constant 0.000000e+00 : f32
      %neg3A_533 = vector.broadcast %neg3A_532 : f32 to vector<16xf32>
      %neg3A_534 = arith.subf %neg3A_533, %abs3A_531 : vector<16xf32>
      %exp3A_535 = math.exp %neg3A_534 : vector<16xf32>
      %add3A_536 = arith.constant 2.000000e+00 : f32
      %add3A_537 = vector.broadcast %add3A_536 : f32 to vector<16xf32>
      %add3A_538 = arith.addf %exp3A_535, %add3A_537 : vector<16xf32>
      %div3A_539 = arith.divf %exp3A_535, %add3A_538 : vector<16xf32>
      %mul3A_540 = arith.mulf %div3A_539, %div3A_539 : vector<16xf32>
      %mul3A_541 = arith.constant 4.000000e-01 : f32
      %mul3A_542 = vector.broadcast %mul3A_541 : f32 to vector<16xf32>
      %mul3A_543 = arith.mulf %mul3A_540, %mul3A_542 : vector<16xf32>
      %add3A_544 = arith.constant 0.666666686 : f32
      %add3A_545 = vector.broadcast %add3A_544 : f32 to vector<16xf32>
      %add3A_546 = arith.addf %add3A_545, %mul3A_543 : vector<16xf32>
      %mul3A_547 = arith.mulf %mul3A_540, %add3A_546 : vector<16xf32>
      %add3A_548 = arith.constant 2.000000e+00 : f32
      %add3A_549 = vector.broadcast %add3A_548 : f32 to vector<16xf32>
      %add3A_550 = arith.addf %add3A_549, %mul3A_547 : vector<16xf32>
      %mul3A_551 = arith.mulf %div3A_539, %add3A_550 : vector<16xf32>
      %min3A_552 = arith.constant 0.000000e+00 : f32
      %min3A_553 = vector.broadcast %min3A_552 : f32 to vector<16xf32>
      %min3A_554 = arith.minimumf %sub3A_510, %min3A_553 : vector<16xf32>
      %sub3A_555 = arith.subf %min3A_554, %mul3A_551 : vector<16xf32>
      %mul3A_556 = arith.mulf %max3A_530, %sub3A_555 : vector<16xf32>
      %add3A_557 = arith.addf %add3A_325, %mul3A_556 : vector<16xf32>
      %get3A_558 = arith.constant 8 : i32
      %get3A_559 = arith.index_cast %get3A_558 : i32 to index
      %get3A_560 = arith.constant 0 : index
      %get3A_561 = tpu.vector_load %arg4[%get3A_559, %get3A_560] {strides = array<i32>} : memref<48x16xf32, #tpu.memory_space<vmem>>, vector<1x16xf32>,
      %get3A_562 = vector.shape_cast %get3A_561 : vector<1x16xf32> to vector<16xf32>
      %get3A_563 = arith.constant 24 : i32
      %get3A_564 = arith.index_cast %get3A_563 : i32 to index
      %get3A_565 = arith.constant 0 : index
      %get3A_566 = tpu.vector_load %arg4[%get3A_564, %get3A_565] {strides = array<i32>} : memref<48x16xf32, #tpu.memory_space<vmem>>, vector<1x16xf32>,
      %get3A_567 = vector.shape_cast %get3A_566 : vector<1x16xf32> to vector<16xf32>
      %sub3A_568 = arith.subf %gather3A_85, %get3A_562 : vector<16xf32>
      %sub3A_569 = arith.subf %gather3A_101, %get3A_567 : vector<16xf32>
      %sub3A_570 = arith.constant 0.00999999977 : f32
      %sub3A_571 = vector.broadcast %sub3A_570 : f32 to vector<16xf32>
      %sub3A_572 = arith.subf %sub3A_569, %sub3A_571 : vector<16xf32>
      %sign3A_573 = tpu.bitcast %sub3A_572 : vector<16xf32> -> vector<16xi32>
      %sign3A_574 = arith.constant -2147483648 : i32
      %sign3A_575 = vector.broadcast %sign3A_574 : i32 to vector<16xi32>
      %sign3A_576 = arith.andi %sign3A_573, %sign3A_575 : vector<16xi32>
      %sign3A_577 = arith.constant 1065353216 : i32
      %sign3A_578 = vector.broadcast %sign3A_577 : i32 to vector<16xi32>
      %sign3A_579 = arith.ori %sign3A_578, %sign3A_576 : vector<16xi32>
      %sign3A_580 = tpu.bitcast %sign3A_579 : vector<16xi32> -> vector<16xf32>
      %sign3A_581 = math.absf %sub3A_572 : vector<16xf32>
      %sign3A_582 = arith.constant 0.000000e+00 : f32
      %sign3A_583 = vector.broadcast %sign3A_582 : f32 to vector<16xf32>
      %sign3A_584 = arith.cmpf ogt, %sign3A_581, %sign3A_583 : vector<16xf32>
      %sign3A_585 = arith.select %sign3A_584, %sign3A_580, %sub3A_572 : vector<16xi1>, vector<16xf32>
      %max3A_586 = arith.constant 0.000000e+00 : f32
      %max3A_587 = vector.broadcast %max3A_586 : f32 to vector<16xf32>
      %max3A_588 = arith.maximumf %sign3A_585, %max3A_587 : vector<16xf32>
      %abs3A_589 = math.absf %sub3A_568 : vector<16xf32>
      %neg3A_590 = arith.constant 0.000000e+00 : f32
      %neg3A_591 = vector.broadcast %neg3A_590 : f32 to vector<16xf32>
      %neg3A_592 = arith.subf %neg3A_591, %abs3A_589 : vector<16xf32>
      %exp3A_593 = math.exp %neg3A_592 : vector<16xf32>
      %add3A_594 = arith.constant 2.000000e+00 : f32
      %add3A_595 = vector.broadcast %add3A_594 : f32 to vector<16xf32>
      %add3A_596 = arith.addf %exp3A_593, %add3A_595 : vector<16xf32>
      %div3A_597 = arith.divf %exp3A_593, %add3A_596 : vector<16xf32>
      %mul3A_598 = arith.mulf %div3A_597, %div3A_597 : vector<16xf32>
      %mul3A_599 = arith.constant 4.000000e-01 : f32
      %mul3A_600 = vector.broadcast %mul3A_599 : f32 to vector<16xf32>
      %mul3A_601 = arith.mulf %mul3A_598, %mul3A_600 : vector<16xf32>
      %add3A_602 = arith.constant 0.666666686 : f32
      %add3A_603 = vector.broadcast %add3A_602 : f32 to vector<16xf32>
      %add3A_604 = arith.addf %add3A_603, %mul3A_601 : vector<16xf32>
      %mul3A_605 = arith.mulf %mul3A_598, %add3A_604 : vector<16xf32>
      %add3A_606 = arith.constant 2.000000e+00 : f32
      %add3A_607 = vector.broadcast %add3A_606 : f32 to vector<16xf32>
      %add3A_608 = arith.addf %add3A_607, %mul3A_605 : vector<16xf32>
      %mul3A_609 = arith.mulf %div3A_597, %add3A_608 : vector<16xf32>
      %min3A_610 = arith.constant 0.000000e+00 : f32
      %min3A_611 = vector.broadcast %min3A_610 : f32 to vector<16xf32>
      %min3A_612 = arith.minimumf %sub3A_568, %min3A_611 : vector<16xf32>
      %sub3A_613 = arith.subf %min3A_612, %mul3A_609 : vector<16xf32>
      %mul3A_614 = arith.mulf %max3A_588, %sub3A_613 : vector<16xf32>
      %add3A_615 = arith.addf %add3A_383, %mul3A_614 : vector<16xf32>
      %get3A_616 = arith.constant 9 : i32
      %get3A_617 = arith.index_cast %get3A_616 : i32 to index
      %get3A_618 = arith.constant 0 : index
      %get3A_619 = tpu.vector_load %arg4[%get3A_617, %get3A_618] {strides = array<i32>} : memref<48x16xf32, #tpu.memory_space<vmem>>, vector<1x16xf32>,
      %get3A_620 = vector.shape_cast %get3A_619 : vector<1x16xf32> to vector<16xf32>
      %get3A_621 = arith.constant 25 : i32
      %get3A_622 = arith.index_cast %get3A_621 : i32 to index
      %get3A_623 = arith.constant 0 : index
      %get3A_624 = tpu.vector_load %arg4[%get3A_622, %get3A_623] {strides = array<i32>} : memref<48x16xf32, #tpu.memory_space<vmem>>, vector<1x16xf32>,
      %get3A_625 = vector.shape_cast %get3A_624 : vector<1x16xf32> to vector<16xf32>
      %sub3A_626 = arith.subf %gather3A_85, %get3A_620 : vector<16xf32>
      %sub3A_627 = arith.subf %gather3A_101, %get3A_625 : vector<16xf32>
      %sub3A_628 = arith.constant 0.00999999977 : f32
      %sub3A_629 = vector.broadcast %sub3A_628 : f32 to vector<16xf32>
      %sub3A_630 = arith.subf %sub3A_627, %sub3A_629 : vector<16xf32>
      %sign3A_631 = tpu.bitcast %sub3A_630 : vector<16xf32> -> vector<16xi32>
      %sign3A_632 = arith.constant -2147483648 : i32
      %sign3A_633 = vector.broadcast %sign3A_632 : i32 to vector<16xi32>
      %sign3A_634 = arith.andi %sign3A_631, %sign3A_633 : vector<16xi32>
      %sign3A_635 = arith.constant 1065353216 : i32
      %sign3A_636 = vector.broadcast %sign3A_635 : i32 to vector<16xi32>
      %sign3A_637 = arith.ori %sign3A_636, %sign3A_634 : vector<16xi32>
      %sign3A_638 = tpu.bitcast %sign3A_637 : vector<16xi32> -> vector<16xf32>
      %sign3A_639 = math.absf %sub3A_630 : vector<16xf32>
      %sign3A_640 = arith.constant 0.000000e+00 : f32
      %sign3A_641 = vector.broadcast %sign3A_640 : f32 to vector<16xf32>
      %sign3A_642 = arith.cmpf ogt, %sign3A_639, %sign3A_641 : vector<16xf32>
      %sign3A_643 = arith.select %sign3A_642, %sign3A_638, %sub3A_630 : vector<16xi1>, vector<16xf32>
      %max3A_644 = arith.constant 0.000000e+00 : f32
      %max3A_645 = vector.broadcast %max3A_644 : f32 to vector<16xf32>
      %max3A_646 = arith.maximumf %sign3A_643, %max3A_645 : vector<16xf32>
      %abs3A_647 = math.absf %sub3A_626 : vector<16xf32>
      %neg3A_648 = arith.constant 0.000000e+00 : f32
      %neg3A_649 = vector.broadcast %neg3A_648 : f32 to vector<16xf32>
      %neg3A_650 = arith.subf %neg3A_649, %abs3A_647 : vector<16xf32>
      %exp3A_651 = math.exp %neg3A_650 : vector<16xf32>
      %add3A_652 = arith.constant 2.000000e+00 : f32
      %add3A_653 = vector.broadcast %add3A_652 : f32 to vector<16xf32>
      %add3A_654 = arith.addf %exp3A_651, %add3A_653 : vector<16xf32>
      %div3A_655 = arith.divf %exp3A_651, %add3A_654 : vector<16xf32>
      %mul3A_656 = arith.mulf %div3A_655, %div3A_655 : vector<16xf32>
      %mul3A_657 = arith.constant 4.000000e-01 : f32
      %mul3A_658 = vector.broadcast %mul3A_657 : f32 to vector<16xf32>
      %mul3A_659 = arith.mulf %mul3A_656, %mul3A_658 : vector<16xf32>
      %add3A_660 = arith.constant 0.666666686 : f32
      %add3A_661 = vector.broadcast %add3A_660 : f32 to vector<16xf32>
      %add3A_662 = arith.addf %add3A_661, %mul3A_659 : vector<16xf32>
      %mul3A_663 = arith.mulf %mul3A_656, %add3A_662 : vector<16xf32>
      %add3A_664 = arith.constant 2.000000e+00 : f32
      %add3A_665 = vector.broadcast %add3A_664 : f32 to vector<16xf32>
      %add3A_666 = arith.addf %add3A_665, %mul3A_663 : vector<16xf32>
      %mul3A_667 = arith.mulf %div3A_655, %add3A_666 : vector<16xf32>
      %min3A_668 = arith.constant 0.000000e+00 : f32
      %min3A_669 = vector.broadcast %min3A_668 : f32 to vector<16xf32>
      %min3A_670 = arith.minimumf %sub3A_626, %min3A_669 : vector<16xf32>
      %sub3A_671 = arith.subf %min3A_670, %mul3A_667 : vector<16xf32>
      %mul3A_672 = arith.mulf %max3A_646, %sub3A_671 : vector<16xf32>
      %add3A_673 = arith.addf %add3A_441, %mul3A_672 : vector<16xf32>
      %get3A_674 = arith.constant 10 : i32
      %get3A_675 = arith.index_cast %get3A_674 : i32 to index
      %get3A_676 = arith.constant 0 : index
      %get3A_677 = tpu.vector_load %arg4[%get3A_675, %get3A_676] {strides = array<i32>} : memref<48x16xf32, #tpu.memory_space<vmem>>, vector<1x16xf32>,
      %get3A_678 = vector.shape_cast %get3A_677 : vector<1x16xf32> to vector<16xf32>
      %get3A_679 = arith.constant 26 : i32
      %get3A_680 = arith.index_cast %get3A_679 : i32 to index
      %get3A_681 = arith.constant 0 : index
      %get3A_682 = tpu.vector_load %arg4[%get3A_680, %get3A_681] {strides = array<i32>} : memref<48x16xf32, #tpu.memory_space<vmem>>, vector<1x16xf32>,
      %get3A_683 = vector.shape_cast %get3A_682 : vector<1x16xf32> to vector<16xf32>
      %sub3A_684 = arith.subf %gather3A_85, %get3A_678 : vector<16xf32>
      %sub3A_685 = arith.subf %gather3A_101, %get3A_683 : vector<16xf32>
      %sub3A_686 = arith.constant 0.00999999977 : f32
      %sub3A_687 = vector.broadcast %sub3A_686 : f32 to vector<16xf32>
      %sub3A_688 = arith.subf %sub3A_685, %sub3A_687 : vector<16xf32>
      %sign3A_689 = tpu.bitcast %sub3A_688 : vector<16xf32> -> vector<16xi32>
      %sign3A_690 = arith.constant -2147483648 : i32
      %sign3A_691 = vector.broadcast %sign3A_690 : i32 to vector<16xi32>
      %sign3A_692 = arith.andi %sign3A_689, %sign3A_691 : vector<16xi32>
      %sign3A_693 = arith.constant 1065353216 : i32
      %sign3A_694 = vector.broadcast %sign3A_693 : i32 to vector<16xi32>
      %sign3A_695 = arith.ori %sign3A_694, %sign3A_692 : vector<16xi32>
      %sign3A_696 = tpu.bitcast %sign3A_695 : vector<16xi32> -> vector<16xf32>
      %sign3A_697 = math.absf %sub3A_688 : vector<16xf32>
      %sign3A_698 = arith.constant 0.000000e+00 : f32
      %sign3A_699 = vector.broadcast %sign3A_698 : f32 to vector<16xf32>
      %sign3A_700 = arith.cmpf ogt, %sign3A_697, %sign3A_699 : vector<16xf32>
      %sign3A_701 = arith.select %sign3A_700, %sign3A_696, %sub3A_688 : vector<16xi1>, vector<16xf32>
      %max3A_702 = arith.constant 0.000000e+00 : f32
      %max3A_703 = vector.broadcast %max3A_702 : f32 to vector<16xf32>
      %max3A_704 = arith.maximumf %sign3A_701, %max3A_703 : vector<16xf32>
      %abs3A_705 = math.absf %sub3A_684 : vector<16xf32>
      %neg3A_706 = arith.constant 0.000000e+00 : f32
      %neg3A_707 = vector.broadcast %neg3A_706 : f32 to vector<16xf32>
      %neg3A_708 = arith.subf %neg3A_707, %abs3A_705 : vector<16xf32>
      %exp3A_709 = math.exp %neg3A_708 : vector<16xf32>
      %add3A_710 = arith.constant 2.000000e+00 : f32
      %add3A_711 = vector.broadcast %add3A_710 : f32 to vector<16xf32>
      %add3A_712 = arith.addf %exp3A_709, %add3A_711 : vector<16xf32>
      %div3A_713 = arith.divf %exp3A_709, %add3A_712 : vector<16xf32>
      %mul3A_714 = arith.mulf %div3A_713, %div3A_713 : vector<16xf32>
      %mul3A_715 = arith.constant 4.000000e-01 : f32
      %mul3A_716 = vector.broadcast %mul3A_715 : f32 to vector<16xf32>
      %mul3A_717 = arith.mulf %mul3A_714, %mul3A_716 : vector<16xf32>
      %add3A_718 = arith.constant 0.666666686 : f32
      %add3A_719 = vector.broadcast %add3A_718 : f32 to vector<16xf32>
      %add3A_720 = arith.addf %add3A_719, %mul3A_717 : vector<16xf32>
      %mul3A_721 = arith.mulf %mul3A_714, %add3A_720 : vector<16xf32>
      %add3A_722 = arith.constant 2.000000e+00 : f32
      %add3A_723 = vector.broadcast %add3A_722 : f32 to vector<16xf32>
      %add3A_724 = arith.addf %add3A_723, %mul3A_721 : vector<16xf32>
      %mul3A_725 = arith.mulf %div3A_713, %add3A_724 : vector<16xf32>
      %min3A_726 = arith.constant 0.000000e+00 : f32
      %min3A_727 = vector.broadcast %min3A_726 : f32 to vector<16xf32>
      %min3A_728 = arith.minimumf %sub3A_684, %min3A_727 : vector<16xf32>
      %sub3A_729 = arith.subf %min3A_728, %mul3A_725 : vector<16xf32>
      %mul3A_730 = arith.mulf %max3A_704, %sub3A_729 : vector<16xf32>
      %add3A_731 = arith.addf %add3A_499, %mul3A_730 : vector<16xf32>
      %get3A_732 = arith.constant 11 : i32
      %get3A_733 = arith.index_cast %get3A_732 : i32 to index
      %get3A_734 = arith.constant 0 : index
      %get3A_735 = tpu.vector_load %arg4[%get3A_733, %get3A_734] {strides = array<i32>} : memref<48x16xf32, #tpu.memory_space<vmem>>, vector<1x16xf32>,
      %get3A_736 = vector.shape_cast %get3A_735 : vector<1x16xf32> to vector<16xf32>
      %get3A_737 = arith.constant 27 : i32
      %get3A_738 = arith.index_cast %get3A_737 : i32 to index
      %get3A_739 = arith.constant 0 : index
      %get3A_740 = tpu.vector_load %arg4[%get3A_738, %get3A_739] {strides = array<i32>} : memref<48x16xf32, #tpu.memory_space<vmem>>, vector<1x16xf32>,
      %get3A_741 = vector.shape_cast %get3A_740 : vector<1x16xf32> to vector<16xf32>
      %sub3A_742 = arith.subf %gather3A_85, %get3A_736 : vector<16xf32>
      %sub3A_743 = arith.subf %gather3A_101, %get3A_741 : vector<16xf32>
      %sub3A_744 = arith.constant 0.00999999977 : f32
      %sub3A_745 = vector.broadcast %sub3A_744 : f32 to vector<16xf32>
      %sub3A_746 = arith.subf %sub3A_743, %sub3A_745 : vector<16xf32>
      %sign3A_747 = tpu.bitcast %sub3A_746 : vector<16xf32> -> vector<16xi32>
      %sign3A_748 = arith.constant -2147483648 : i32
      %sign3A_749 = vector.broadcast %sign3A_748 : i32 to vector<16xi32>
      %sign3A_750 = arith.andi %sign3A_747, %sign3A_749 : vector<16xi32>
      %sign3A_751 = arith.constant 1065353216 : i32
      %sign3A_752 = vector.broadcast %sign3A_751 : i32 to vector<16xi32>
      %sign3A_753 = arith.ori %sign3A_752, %sign3A_750 : vector<16xi32>
      %sign3A_754 = tpu.bitcast %sign3A_753 : vector<16xi32> -> vector<16xf32>
      %sign3A_755 = math.absf %sub3A_746 : vector<16xf32>
      %sign3A_756 = arith.constant 0.000000e+00 : f32
      %sign3A_757 = vector.broadcast %sign3A_756 : f32 to vector<16xf32>
      %sign3A_758 = arith.cmpf ogt, %sign3A_755, %sign3A_757 : vector<16xf32>
      %sign3A_759 = arith.select %sign3A_758, %sign3A_754, %sub3A_746 : vector<16xi1>, vector<16xf32>
      %max3A_760 = arith.constant 0.000000e+00 : f32
      %max3A_761 = vector.broadcast %max3A_760 : f32 to vector<16xf32>
      %max3A_762 = arith.maximumf %sign3A_759, %max3A_761 : vector<16xf32>
      %abs3A_763 = math.absf %sub3A_742 : vector<16xf32>
      %neg3A_764 = arith.constant 0.000000e+00 : f32
      %neg3A_765 = vector.broadcast %neg3A_764 : f32 to vector<16xf32>
      %neg3A_766 = arith.subf %neg3A_765, %abs3A_763 : vector<16xf32>
      %exp3A_767 = math.exp %neg3A_766 : vector<16xf32>
      %add3A_768 = arith.constant 2.000000e+00 : f32
      %add3A_769 = vector.broadcast %add3A_768 : f32 to vector<16xf32>
      %add3A_770 = arith.addf %exp3A_767, %add3A_769 : vector<16xf32>
      %div3A_771 = arith.divf %exp3A_767, %add3A_770 : vector<16xf32>
      %mul3A_772 = arith.mulf %div3A_771, %div3A_771 : vector<16xf32>
      %mul3A_773 = arith.constant 4.000000e-01 : f32
      %mul3A_774 = vector.broadcast %mul3A_773 : f32 to vector<16xf32>
      %mul3A_775 = arith.mulf %mul3A_772, %mul3A_774 : vector<16xf32>
      %add3A_776 = arith.constant 0.666666686 : f32
      %add3A_777 = vector.broadcast %add3A_776 : f32 to vector<16xf32>
      %add3A_778 = arith.addf %add3A_777, %mul3A_775 : vector<16xf32>
      %mul3A_779 = arith.mulf %mul3A_772, %add3A_778 : vector<16xf32>
      %add3A_780 = arith.constant 2.000000e+00 : f32
      %add3A_781 = vector.broadcast %add3A_780 : f32 to vector<16xf32>
      %add3A_782 = arith.addf %add3A_781, %mul3A_779 : vector<16xf32>
      %mul3A_783 = arith.mulf %div3A_771, %add3A_782 : vector<16xf32>
      %min3A_784 = arith.constant 0.000000e+00 : f32
      %min3A_785 = vector.broadcast %min3A_784 : f32 to vector<16xf32>
      %min3A_786 = arith.minimumf %sub3A_742, %min3A_785 : vector<16xf32>
      %sub3A_787 = arith.subf %min3A_786, %mul3A_783 : vector<16xf32>
      %mul3A_788 = arith.mulf %max3A_762, %sub3A_787 : vector<16xf32>
      %add3A_789 = arith.addf %add3A_557, %mul3A_788 : vector<16xf32>
      %get3A_790 = arith.constant 12 : i32
      %get3A_791 = arith.index_cast %get3A_790 : i32 to index
      %get3A_792 = arith.constant 0 : index
      %get3A_793 = tpu.vector_load %arg4[%get3A_791, %get3A_792] {strides = array<i32>} : memref<48x16xf32, #tpu.memory_space<vmem>>, vector<1x16xf32>,
      %get3A_794 = vector.shape_cast %get3A_793 : vector<1x16xf32> to vector<16xf32>
      %get3A_795 = arith.constant 28 : i32
      %get3A_796 = arith.index_cast %get3A_795 : i32 to index
      %get3A_797 = arith.constant 0 : index
      %get3A_798 = tpu.vector_load %arg4[%get3A_796, %get3A_797] {strides = array<i32>} : memref<48x16xf32, #tpu.memory_space<vmem>>, vector<1x16xf32>,
      %get3A_799 = vector.shape_cast %get3A_798 : vector<1x16xf32> to vector<16xf32>
      %sub3A_800 = arith.subf %gather3A_85, %get3A_794 : vector<16xf32>
      %sub3A_801 = arith.subf %gather3A_101, %get3A_799 : vector<16xf32>
      %sub3A_802 = arith.constant 0.00999999977 : f32
      %sub3A_803 = vector.broadcast %sub3A_802 : f32 to vector<16xf32>
      %sub3A_804 = arith.subf %sub3A_801, %sub3A_803 : vector<16xf32>
      %sign3A_805 = tpu.bitcast %sub3A_804 : vector<16xf32> -> vector<16xi32>
      %sign3A_806 = arith.constant -2147483648 : i32
      %sign3A_807 = vector.broadcast %sign3A_806 : i32 to vector<16xi32>
      %sign3A_808 = arith.andi %sign3A_805, %sign3A_807 : vector<16xi32>
      %sign3A_809 = arith.constant 1065353216 : i32
      %sign3A_810 = vector.broadcast %sign3A_809 : i32 to vector<16xi32>
      %sign3A_811 = arith.ori %sign3A_810, %sign3A_808 : vector<16xi32>
      %sign3A_812 = tpu.bitcast %sign3A_811 : vector<16xi32> -> vector<16xf32>
      %sign3A_813 = math.absf %sub3A_804 : vector<16xf32>
      %sign3A_814 = arith.constant 0.000000e+00 : f32
      %sign3A_815 = vector.broadcast %sign3A_814 : f32 to vector<16xf32>
      %sign3A_816 = arith.cmpf ogt, %sign3A_813, %sign3A_815 : vector<16xf32>
      %sign3A_817 = arith.select %sign3A_816, %sign3A_812, %sub3A_804 : vector<16xi1>, vector<16xf32>
      %max3A_818 = arith.constant 0.000000e+00 : f32
      %max3A_819 = vector.broadcast %max3A_818 : f32 to vector<16xf32>
      %max3A_820 = arith.maximumf %sign3A_817, %max3A_819 : vector<16xf32>
      %abs3A_821 = math.absf %sub3A_800 : vector<16xf32>
      %neg3A_822 = arith.constant 0.000000e+00 : f32
      %neg3A_823 = vector.broadcast %neg3A_822 : f32 to vector<16xf32>
      %neg3A_824 = arith.subf %neg3A_823, %abs3A_821 : vector<16xf32>
      %exp3A_825 = math.exp %neg3A_824 : vector<16xf32>
      %add3A_826 = arith.constant 2.000000e+00 : f32
      %add3A_827 = vector.broadcast %add3A_826 : f32 to vector<16xf32>
      %add3A_828 = arith.addf %exp3A_825, %add3A_827 : vector<16xf32>
      %div3A_829 = arith.divf %exp3A_825, %add3A_828 : vector<16xf32>
      %mul3A_830 = arith.mulf %div3A_829, %div3A_829 : vector<16xf32>
      %mul3A_831 = arith.constant 4.000000e-01 : f32
      %mul3A_832 = vector.broadcast %mul3A_831 : f32 to vector<16xf32>
      %mul3A_833 = arith.mulf %mul3A_830, %mul3A_832 : vector<16xf32>
      %add3A_834 = arith.constant 0.666666686 : f32
      %add3A_835 = vector.broadcast %add3A_834 : f32 to vector<16xf32>
      %add3A_836 = arith.addf %add3A_835, %mul3A_833 : vector<16xf32>
      %mul3A_837 = arith.mulf %mul3A_830, %add3A_836 : vector<16xf32>
      %add3A_838 = arith.constant 2.000000e+00 : f32
      %add3A_839 = vector.broadcast %add3A_838 : f32 to vector<16xf32>
      %add3A_840 = arith.addf %add3A_839, %mul3A_837 : vector<16xf32>
      %mul3A_841 = arith.mulf %div3A_829, %add3A_840 : vector<16xf32>
      %min3A_842 = arith.constant 0.000000e+00 : f32
      %min3A_843 = vector.broadcast %min3A_842 : f32 to vector<16xf32>
      %min3A_844 = arith.minimumf %sub3A_800, %min3A_843 : vector<16xf32>
      %sub3A_845 = arith.subf %min3A_844, %mul3A_841 : vector<16xf32>
      %mul3A_846 = arith.mulf %max3A_820, %sub3A_845 : vector<16xf32>
      %add3A_847 = arith.addf %add3A_615, %mul3A_846 : vector<16xf32>
      scf.yield %add3A_847, %add3A_673, %add3A_731, %add3A_789 : vector<16xf32>, vector<16xf32>, vector<16xf32>, vector<16xf32>
    }
    %scan3A_6 = arith.constant 7 : i32
    %add3A = arith.addf %scan3A_5#0, %scan3A_5#1 : vector<16xf32>
    %add3A_7 = arith.addf %scan3A_5#2, %scan3A_5#3 : vector<16xf32>
    %add3A_8 = arith.addf %add3A, %add3A_7 : vector<16xf32>
    %xor3A = arith.constant 1 : i32
    %xor3A_9 = vector.broadcast %xor3A : i32 to vector<16xi32>
    %xor3A_10 = arith.xori %iota3A, %xor3A_9 : vector<16xi32>
    %lt3A = arith.constant 0 : i32
    %lt3A_11 = vector.broadcast %lt3A : i32 to vector<16xi32>
    %lt3A_12 = arith.cmpi slt, %xor3A_10, %lt3A_11 : vector<16xi32>
    %add3A_13 = arith.constant 16 : i32
    %add3A_14 = vector.broadcast %add3A_13 : i32 to vector<16xi32>
    %add3A_15 = arith.addi %xor3A_10, %add3A_14 : vector<16xi32>
    %select_n3A = arith.select %lt3A_12, %add3A_15, %xor3A_10 : vector<16xi1>, vector<16xi32>
    %broadcast_in_dim3A_16 = vector.shape_cast %select_n3A : vector<16xi32> to vector<16x1xi32>
    %gather3A = vector.shape_cast %broadcast_in_dim3A_16 : vector<16x1xi32> to vector<16xi32>
    %gather3A_17 = tpu.dynamic_gather %add3A_8[%gather3A] in [0] : vector<16xf32>, vector<16xi32> -> vector<16xf32>
    %add3A_18 = arith.addf %add3A_8, %gather3A_17 : vector<16xf32>
    %xor3A_19 = arith.constant 2 : i32
    %xor3A_20 = vector.broadcast %xor3A_19 : i32 to vector<16xi32>
    %xor3A_21 = arith.xori %iota3A, %xor3A_20 : vector<16xi32>
    %lt3A_22 = arith.constant 0 : i32
    %lt3A_23 = vector.broadcast %lt3A_22 : i32 to vector<16xi32>
    %lt3A_24 = arith.cmpi slt, %xor3A_21, %lt3A_23 : vector<16xi32>
    %add3A_25 = arith.constant 16 : i32
    %add3A_26 = vector.broadcast %add3A_25 : i32 to vector<16xi32>
    %add3A_27 = arith.addi %xor3A_21, %add3A_26 : vector<16xi32>
    %select_n3A_28 = arith.select %lt3A_24, %add3A_27, %xor3A_21 : vector<16xi1>, vector<16xi32>
    %broadcast_in_dim3A_29 = vector.shape_cast %select_n3A_28 : vector<16xi32> to vector<16x1xi32>
    %gather3A_30 = vector.shape_cast %broadcast_in_dim3A_29 : vector<16x1xi32> to vector<16xi32>
    %gather3A_31 = tpu.dynamic_gather %add3A_18[%gather3A_30] in [0] : vector<16xf32>, vector<16xi32> -> vector<16xf32>
    %add3A_32 = arith.addf %add3A_18, %gather3A_31 : vector<16xf32>
    %xor3A_33 = arith.constant 4 : i32
    %xor3A_34 = vector.broadcast %xor3A_33 : i32 to vector<16xi32>
    %xor3A_35 = arith.xori %iota3A, %xor3A_34 : vector<16xi32>
    %lt3A_36 = arith.constant 0 : i32
    %lt3A_37 = vector.broadcast %lt3A_36 : i32 to vector<16xi32>
    %lt3A_38 = arith.cmpi slt, %xor3A_35, %lt3A_37 : vector<16xi32>
    %add3A_39 = arith.constant 16 : i32
    %add3A_40 = vector.broadcast %add3A_39 : i32 to vector<16xi32>
    %add3A_41 = arith.addi %xor3A_35, %add3A_40 : vector<16xi32>
    %select_n3A_42 = arith.select %lt3A_38, %add3A_41, %xor3A_35 : vector<16xi1>, vector<16xi32>
    %broadcast_in_dim3A_43 = vector.shape_cast %select_n3A_42 : vector<16xi32> to vector<16x1xi32>
    %gather3A_44 = vector.shape_cast %broadcast_in_dim3A_43 : vector<16x1xi32> to vector<16xi32>
    %gather3A_45 = tpu.dynamic_gather %add3A_32[%gather3A_44] in [0] : vector<16xf32>, vector<16xi32> -> vector<16xf32>
    %add3A_46 = arith.addf %add3A_32, %gather3A_45 : vector<16xf32>
    %xor3A_47 = arith.constant 8 : i32
    %xor3A_48 = vector.broadcast %xor3A_47 : i32 to vector<16xi32>
    %xor3A_49 = arith.xori %iota3A, %xor3A_48 : vector<16xi32>
    %lt3A_50 = arith.constant 0 : i32
    %lt3A_51 = vector.broadcast %lt3A_50 : i32 to vector<16xi32>
    %lt3A_52 = arith.cmpi slt, %xor3A_49, %lt3A_51 : vector<16xi32>
    %add3A_53 = arith.constant 16 : i32
    %add3A_54 = vector.broadcast %add3A_53 : i32 to vector<16xi32>
    %add3A_55 = arith.addi %xor3A_49, %add3A_54 : vector<16xi32>
    %select_n3A_56 = arith.select %lt3A_52, %add3A_55, %xor3A_49 : vector<16xi1>, vector<16xi32>
    %broadcast_in_dim3A_57 = vector.shape_cast %select_n3A_56 : vector<16xi32> to vector<16x1xi32>
    %gather3A_58 = vector.shape_cast %broadcast_in_dim3A_57 : vector<16x1xi32> to vector<16xi32>
    %gather3A_59 = tpu.dynamic_gather %add3A_46[%gather3A_58] in [0] : vector<16xf32>, vector<16xi32> -> vector<16xf32>
    %add3A_60 = arith.addf %add3A_46, %gather3A_59 : vector<16xf32>
    %swap3A = arith.constant 0 : index
    %swap3A_61 = tpu.vector_load %arg5[%swap3A] {strides = array<i32>} : memref<16xf32, #tpu.memory_space<vmem>>, vector<16xf32>,
    %swap3A_62 = vector.shape_cast %swap3A_61 : vector<16xf32> to vector<16xf32>
    %swap3A_63 = vector.shape_cast %add3A_60 : vector<16xf32> to vector<16xf32>
    tpu.vector_store %arg5[%swap3A], %swap3A_63 {strides = array<i32>} : memref<16xf32, #tpu.memory_space<vmem>>, vector<16xf32>,
    "tpu.region"() ({
      %run_scoped3A = tpu.sem_alloc : memref<!tpu.dma_semaphore, #tpu.memory_space<semaphore_mem>>
      %dma_start3A = arith.constant 0 : i32
      %dma_start3A_66 = tpu.memref_slice %arg7[%arg1, %dma_start3A] : memref<16x16xf32, #tpu.memory_space<vmem_shared>> -> memref<1x16xf32, #tpu.memory_space<vmem_shared>>
      %dma_start3A_67 = tpu.memref_squeeze %dma_start3A_66 : memref<1x16xf32, #tpu.memory_space<vmem_shared>> -> memref<16xf32, #tpu.memory_space<vmem_shared>>
      %dma_start3A_68 = arith.constant 0 : i32
      %dma_start3A_69 = tpu.memref_slice %arg7[%arg1, %dma_start3A_68] : memref<16x16xf32, #tpu.memory_space<vmem_shared>> -> memref<1x16xf32, #tpu.memory_space<vmem_shared>>
      %dma_start3A_70 = tpu.memref_squeeze %dma_start3A_69 : memref<1x16xf32, #tpu.memory_space<vmem_shared>> -> memref<16xf32, #tpu.memory_space<vmem_shared>>
      tpu.enqueue_dma source(%arg5 : memref<16xf32, #tpu.memory_space<vmem>>) target(%dma_start3A_70 : memref<16xf32, #tpu.memory_space<vmem_shared>>) target_semaphore(%run_scoped3A : memref<!tpu.dma_semaphore, #tpu.memory_space<semaphore_mem>>)
      %dma_wait3A = arith.constant 0 : i32
      %dma_wait3A_71 = tpu.memref_slice %arg7[%arg1, %dma_wait3A] : memref<16x16xf32, #tpu.memory_space<vmem_shared>> -> memref<1x16xf32, #tpu.memory_space<vmem_shared>>
      %dma_wait3A_72 = tpu.memref_squeeze %dma_wait3A_71 : memref<1x16xf32, #tpu.memory_space<vmem_shared>> -> memref<16xf32, #tpu.memory_space<vmem_shared>>
      %dma_wait3A_73 = arith.constant 0 : i32
      %dma_wait3A_74 = tpu.memref_slice %arg7[%arg1, %dma_wait3A_73] : memref<16x16xf32, #tpu.memory_space<vmem_shared>> -> memref<1x16xf32, #tpu.memory_space<vmem_shared>>
      %dma_wait3A_75 = tpu.memref_squeeze %dma_wait3A_74 : memref<1x16xf32, #tpu.memory_space<vmem_shared>> -> memref<16xf32, #tpu.memory_space<vmem_shared>>
      tpu.wait_dma2 semaphore(%run_scoped3A : memref<!tpu.dma_semaphore, #tpu.memory_space<semaphore_mem>>) src(%arg5 : memref<16xf32, #tpu.memory_space<vmem>>) dst(%dma_wait3A_75 : memref<16xf32, #tpu.memory_space<vmem_shared>>)
      tpu.yield
    }) : () -> ()
    %barrier3A = arith.constant 0 : index
    tpu.barrier barrier_id(%barrier3A)
    %eq3A = arith.constant 0 : i32
    %eq3A_64 = arith.cmpi eq, %arg1, %eq3A : i32
    %convert_element_type3A = arith.extui %eq3A_64 : i1 to i32
    %cond3A = arith.constant 0 : i32
    %cond3A_65 = arith.cmpi ne, %convert_element_type3A, %cond3A : i32
    scf.if %cond3A_65 {
      "tpu.region"() ({
        %run_scoped3A = tpu.sem_alloc : memref<!tpu.dma_semaphore, #tpu.memory_space<semaphore_mem>>
        tpu.enqueue_dma source(%arg7 : memref<16x16xf32, #tpu.memory_space<vmem_shared>>) target(%arg6 : memref<16x16xf32, #tpu.memory_space<vmem>>) target_semaphore(%run_scoped3A : memref<!tpu.dma_semaphore, #tpu.memory_space<semaphore_mem>>)
        tpu.wait_dma2 semaphore(%run_scoped3A : memref<!tpu.dma_semaphore, #tpu.memory_space<semaphore_mem>>) src(%arg7 : memref<16x16xf32, #tpu.memory_space<vmem_shared>>) dst(%arg6 : memref<16x16xf32, #tpu.memory_space<vmem>>)
        tpu.yield
      }) : () -> ()
      %broadcast_in_dim3A_66 = arith.constant 0.000000e+00 : f32
      %broadcast_in_dim3A_67 = vector.broadcast %broadcast_in_dim3A_66 : f32 to vector<16xf32>
      %get3A = arith.constant 0 : i32
      %get3A_68 = arith.index_cast %get3A : i32 to index
      %get3A_69 = arith.constant 0 : index
      %get3A_70 = tpu.vector_load %arg6[%get3A_68, %get3A_69] {strides = array<i32>} : memref<16x16xf32, #tpu.memory_space<vmem>>, vector<1x16xf32>,
      %get3A_71 = vector.shape_cast %get3A_70 : vector<1x16xf32> to vector<16xf32>
      %add3A_72 = arith.addf %broadcast_in_dim3A_67, %get3A_71 : vector<16xf32>
      %get3A_73 = arith.constant 1 : i32
      %get3A_74 = arith.index_cast %get3A_73 : i32 to index
      %get3A_75 = arith.constant 0 : index
      %get3A_76 = tpu.vector_load %arg6[%get3A_74, %get3A_75] {strides = array<i32>} : memref<16x16xf32, #tpu.memory_space<vmem>>, vector<1x16xf32>,
      %get3A_77 = vector.shape_cast %get3A_76 : vector<1x16xf32> to vector<16xf32>
      %add3A_78 = arith.addf %add3A_72, %get3A_77 : vector<16xf32>
      %get3A_79 = arith.constant 2 : i32
      %get3A_80 = arith.index_cast %get3A_79 : i32 to index
      %get3A_81 = arith.constant 0 : index
      %get3A_82 = tpu.vector_load %arg6[%get3A_80, %get3A_81] {strides = array<i32>} : memref<16x16xf32, #tpu.memory_space<vmem>>, vector<1x16xf32>,
      %get3A_83 = vector.shape_cast %get3A_82 : vector<1x16xf32> to vector<16xf32>
      %add3A_84 = arith.addf %add3A_78, %get3A_83 : vector<16xf32>
      %get3A_85 = arith.constant 3 : i32
      %get3A_86 = arith.index_cast %get3A_85 : i32 to index
      %get3A_87 = arith.constant 0 : index
      %get3A_88 = tpu.vector_load %arg6[%get3A_86, %get3A_87] {strides = array<i32>} : memref<16x16xf32, #tpu.memory_space<vmem>>, vector<1x16xf32>,
      %get3A_89 = vector.shape_cast %get3A_88 : vector<1x16xf32> to vector<16xf32>
      %add3A_90 = arith.addf %add3A_84, %get3A_89 : vector<16xf32>
      %get3A_91 = arith.constant 4 : i32
      %get3A_92 = arith.index_cast %get3A_91 : i32 to index
      %get3A_93 = arith.constant 0 : index
      %get3A_94 = tpu.vector_load %arg6[%get3A_92, %get3A_93] {strides = array<i32>} : memref<16x16xf32, #tpu.memory_space<vmem>>, vector<1x16xf32>,
      %get3A_95 = vector.shape_cast %get3A_94 : vector<1x16xf32> to vector<16xf32>
      %add3A_96 = arith.addf %add3A_90, %get3A_95 : vector<16xf32>
      %get3A_97 = arith.constant 5 : i32
      %get3A_98 = arith.index_cast %get3A_97 : i32 to index
      %get3A_99 = arith.constant 0 : index
      %get3A_100 = tpu.vector_load %arg6[%get3A_98, %get3A_99] {strides = array<i32>} : memref<16x16xf32, #tpu.memory_space<vmem>>, vector<1x16xf32>,
      %get3A_101 = vector.shape_cast %get3A_100 : vector<1x16xf32> to vector<16xf32>
      %add3A_102 = arith.addf %add3A_96, %get3A_101 : vector<16xf32>
      %get3A_103 = arith.constant 6 : i32
      %get3A_104 = arith.index_cast %get3A_103 : i32 to index
      %get3A_105 = arith.constant 0 : index
      %get3A_106 = tpu.vector_load %arg6[%get3A_104, %get3A_105] {strides = array<i32>} : memref<16x16xf32, #tpu.memory_space<vmem>>, vector<1x16xf32>,
      %get3A_107 = vector.shape_cast %get3A_106 : vector<1x16xf32> to vector<16xf32>
      %add3A_108 = arith.addf %add3A_102, %get3A_107 : vector<16xf32>
      %get3A_109 = arith.constant 7 : i32
      %get3A_110 = arith.index_cast %get3A_109 : i32 to index
      %get3A_111 = arith.constant 0 : index
      %get3A_112 = tpu.vector_load %arg6[%get3A_110, %get3A_111] {strides = array<i32>} : memref<16x16xf32, #tpu.memory_space<vmem>>, vector<1x16xf32>,
      %get3A_113 = vector.shape_cast %get3A_112 : vector<1x16xf32> to vector<16xf32>
      %add3A_114 = arith.addf %add3A_108, %get3A_113 : vector<16xf32>
      %get3A_115 = arith.constant 8 : i32
      %get3A_116 = arith.index_cast %get3A_115 : i32 to index
      %get3A_117 = arith.constant 0 : index
      %get3A_118 = tpu.vector_load %arg6[%get3A_116, %get3A_117] {strides = array<i32>} : memref<16x16xf32, #tpu.memory_space<vmem>>, vector<1x16xf32>,
      %get3A_119 = vector.shape_cast %get3A_118 : vector<1x16xf32> to vector<16xf32>
      %add3A_120 = arith.addf %add3A_114, %get3A_119 : vector<16xf32>
      %get3A_121 = arith.constant 9 : i32
      %get3A_122 = arith.index_cast %get3A_121 : i32 to index
      %get3A_123 = arith.constant 0 : index
      %get3A_124 = tpu.vector_load %arg6[%get3A_122, %get3A_123] {strides = array<i32>} : memref<16x16xf32, #tpu.memory_space<vmem>>, vector<1x16xf32>,
      %get3A_125 = vector.shape_cast %get3A_124 : vector<1x16xf32> to vector<16xf32>
      %add3A_126 = arith.addf %add3A_120, %get3A_125 : vector<16xf32>
      %get3A_127 = arith.constant 10 : i32
      %get3A_128 = arith.index_cast %get3A_127 : i32 to index
      %get3A_129 = arith.constant 0 : index
      %get3A_130 = tpu.vector_load %arg6[%get3A_128, %get3A_129] {strides = array<i32>} : memref<16x16xf32, #tpu.memory_space<vmem>>, vector<1x16xf32>,
      %get3A_131 = vector.shape_cast %get3A_130 : vector<1x16xf32> to vector<16xf32>
      %add3A_132 = arith.addf %add3A_126, %get3A_131 : vector<16xf32>
      %get3A_133 = arith.constant 11 : i32
      %get3A_134 = arith.index_cast %get3A_133 : i32 to index
      %get3A_135 = arith.constant 0 : index
      %get3A_136 = tpu.vector_load %arg6[%get3A_134, %get3A_135] {strides = array<i32>} : memref<16x16xf32, #tpu.memory_space<vmem>>, vector<1x16xf32>,
      %get3A_137 = vector.shape_cast %get3A_136 : vector<1x16xf32> to vector<16xf32>
      %add3A_138 = arith.addf %add3A_132, %get3A_137 : vector<16xf32>
      %get3A_139 = arith.constant 12 : i32
      %get3A_140 = arith.index_cast %get3A_139 : i32 to index
      %get3A_141 = arith.constant 0 : index
      %get3A_142 = tpu.vector_load %arg6[%get3A_140, %get3A_141] {strides = array<i32>} : memref<16x16xf32, #tpu.memory_space<vmem>>, vector<1x16xf32>,
      %get3A_143 = vector.shape_cast %get3A_142 : vector<1x16xf32> to vector<16xf32>
      %add3A_144 = arith.addf %add3A_138, %get3A_143 : vector<16xf32>
      %get3A_145 = arith.constant 13 : i32
      %get3A_146 = arith.index_cast %get3A_145 : i32 to index
      %get3A_147 = arith.constant 0 : index
      %get3A_148 = tpu.vector_load %arg6[%get3A_146, %get3A_147] {strides = array<i32>} : memref<16x16xf32, #tpu.memory_space<vmem>>, vector<1x16xf32>,
      %get3A_149 = vector.shape_cast %get3A_148 : vector<1x16xf32> to vector<16xf32>
      %add3A_150 = arith.addf %add3A_144, %get3A_149 : vector<16xf32>
      %get3A_151 = arith.constant 14 : i32
      %get3A_152 = arith.index_cast %get3A_151 : i32 to index
      %get3A_153 = arith.constant 0 : index
      %get3A_154 = tpu.vector_load %arg6[%get3A_152, %get3A_153] {strides = array<i32>} : memref<16x16xf32, #tpu.memory_space<vmem>>, vector<1x16xf32>,
      %get3A_155 = vector.shape_cast %get3A_154 : vector<1x16xf32> to vector<16xf32>
      %add3A_156 = arith.addf %add3A_150, %get3A_155 : vector<16xf32>
      %get3A_157 = arith.constant 15 : i32
      %get3A_158 = arith.index_cast %get3A_157 : i32 to index
      %get3A_159 = arith.constant 0 : index
      %get3A_160 = tpu.vector_load %arg6[%get3A_158, %get3A_159] {strides = array<i32>} : memref<16x16xf32, #tpu.memory_space<vmem>>, vector<1x16xf32>,
      %get3A_161 = vector.shape_cast %get3A_160 : vector<1x16xf32> to vector<16xf32>
      %add3A_162 = arith.addf %add3A_156, %get3A_161 : vector<16xf32>
      %swap3A_163 = arith.constant 0 : index
      %swap3A_164 = tpu.vector_load %arg8[%swap3A_163] {strides = array<i32>} : memref<16xf32, #tpu.memory_space<vmem>>, vector<16xf32>,
      %swap3A_165 = vector.shape_cast %swap3A_164 : vector<16xf32> to vector<16xf32>
      %swap3A_166 = vector.shape_cast %add3A_162 : vector<16xf32> to vector<16xf32>
      tpu.vector_store %arg8[%swap3A_163], %swap3A_166 {strides = array<i32>} : memref<16xf32, #tpu.memory_space<vmem>>, vector<16xf32>,
      "tpu.region"() ({
        %run_scoped3A = tpu.sem_alloc : memref<!tpu.dma_semaphore, #tpu.memory_space<semaphore_mem>>
        %dma_start3A = arith.constant 0 : i32
        %dma_start3A_167 = tpu.memref_slice %arg3[%arg0, %dma_start3A] : memref<2x16xf32, #tpu.memory_space<hbm>> -> memref<1x16xf32, #tpu.memory_space<hbm>>
        %dma_start3A_168 = tpu.memref_squeeze %dma_start3A_167 : memref<1x16xf32, #tpu.memory_space<hbm>> -> memref<16xf32, #tpu.memory_space<hbm>>
        %dma_start3A_169 = arith.constant 0 : i32
        %dma_start3A_170 = tpu.memref_slice %arg3[%arg0, %dma_start3A_169] : memref<2x16xf32, #tpu.memory_space<hbm>> -> memref<1x16xf32, #tpu.memory_space<hbm>>
        %dma_start3A_171 = tpu.memref_squeeze %dma_start3A_170 : memref<1x16xf32, #tpu.memory_space<hbm>> -> memref<16xf32, #tpu.memory_space<hbm>>
        tpu.enqueue_dma source(%arg8 : memref<16xf32, #tpu.memory_space<vmem>>) target(%dma_start3A_171 : memref<16xf32, #tpu.memory_space<hbm>>) target_semaphore(%run_scoped3A : memref<!tpu.dma_semaphore, #tpu.memory_space<semaphore_mem>>)
        %dma_wait3A = arith.constant 0 : i32
        %dma_wait3A_172 = tpu.memref_slice %arg3[%arg0, %dma_wait3A] : memref<2x16xf32, #tpu.memory_space<hbm>> -> memref<1x16xf32, #tpu.memory_space<hbm>>
        %dma_wait3A_173 = tpu.memref_squeeze %dma_wait3A_172 : memref<1x16xf32, #tpu.memory_space<hbm>> -> memref<16xf32, #tpu.memory_space<hbm>>
        %dma_wait3A_174 = arith.constant 0 : i32
        %dma_wait3A_175 = tpu.memref_slice %arg3[%arg0, %dma_wait3A_174] : memref<2x16xf32, #tpu.memory_space<hbm>> -> memref<1x16xf32, #tpu.memory_space<hbm>>
        %dma_wait3A_176 = tpu.memref_squeeze %dma_wait3A_175 : memref<1x16xf32, #tpu.memory_space<hbm>> -> memref<16xf32, #tpu.memory_space<hbm>>
        tpu.wait_dma2 semaphore(%run_scoped3A : memref<!tpu.dma_semaphore, #tpu.memory_space<semaphore_mem>>) src(%arg8 : memref<16xf32, #tpu.memory_space<vmem>>) dst(%dma_wait3A_176 : memref<16xf32, #tpu.memory_space<hbm>>)
        tpu.yield
      }) : () -> ()
    } else {
    }
    return
  }
}

</mosaic_0001>

<sc_bundles>
// kernel: _ranking_loss.3.cloned.1.call-start
scs
__scs_entry_jumppad:
0x0: {  	(pc) =	sbr.rel $0x88, $3  }
0x1: {  	(tag) =	ssettag $0x0;
	lr =	simm.s32 $0x1  }
0x2: {  	[smem:$0x3FA0] =	sst lr;
	_ =	strace $0xD0000000  }
0x3: {  	_ = 	snop  }
0x4: {  	_ = 	snop  }
0x5: {  	_ = 	snop  }
0x6: {  	_ = 	snop  }
0x7: {  	_ = 	snop  }
__scs_overlays_trampoline_lowered:
0x8: {  	[smem:$0x3FAF] =	sst s0  }
0x9: {  	[smem:$0x3FB0] =	sst s1  }
0xa: {  	[smem:$0x3FB1] =	sst s2  }
0xb: {  	[smem:$0x3FB2] =	sst s3  }
0xc: {  	[smem:$0x3FB3] =	sst s4  }
0xd: {  	[smem:$0x3FB4] =	sst s5  }
0xe: {  	[smem:$0x3FB5] =	sst s6  }
0xf: {  	[smem:$0x3FB6] =	sst s7  }
0x10: {  	[smem:$0x3FB7] =	sst s8  }
0x11: {  	[smem:$0x3FB8] =	sst s9;
	s0 =	simm.s32 @!p0 $0x0  }
0x12: {  	s1 =	sld [smem:$0x3F9E];
	s0 =	simm.s32 @p0 $0x1  }
0x13: {  	[smem:$0x3FB9] =	sst s0;
	s0 =	simm.s32 @!p1 $0x0  }
0x14: {  	s2 =	sld [smem:$0x3F9D];
	s0 =	simm.s32 @p1 $0x1  }
0x15: {  	[smem:$0x3FBA] =	sst s0;
	s0 =	simm.s32 @!p2 $0x0  }
0x16: {  	s3 =	sld [smem:$0x3FDB];
	s0 =	simm.s32 @p2 $0x1  }
0x17: {  	s4 =	simm.s32 $0x1BF5;
	[smem:$0x3FBC] =	sst s0  }
0x18: {  	s0 =	sld [smem:$0x3F9F];
	_ =	swait.ge [sflag:s4], $0x0  }
0x19: {  	s7 =	sld [smem:$0x3FA0]  }
0x1a: {  	s8 =	sadd.s32 $0xFFFFE003, lr  }
0x1b: {  	s9 =	sadd.s32 $0xFFFFFEF7, lr;
	s5 =	simm.s32 $0xFFFFFFFF;
	p2 =	slt.u32 s8, $0xFFFFF086  }
0x1c: {  	p1 =	slt.u32 s9, $0xF7A;
	s5 =	simm.s32 @!p2 $0x0  }
0x1d: {  	s5 =	simm.s32 @p1 $0x1;
	p0 =	seq.s32 s7, s2  }
0x1e: {  	s7 =	smul.u32 @!p0 $0xF7A, s2;
	p2 =	seq.s32 @!p0 s5, $0x0  }
0x1f: {  	s9 =	smul.u32 $0xF7A, s1;
	s8 =	simm.s32 @!p0 $0x1BF5;
	p2 =	por !p2, p0  }
0x20: {  	[sflag:s8] =	ssyncset.s32 @!p0 $0xFFFFF086;
	s6 =	sadd.s32 @!p0 s3, s7;
	s7 =	simm.s32 @!p0 $0x108  }
0x21: {  	s3 =	sadd.s32 s3, s9;
	s6 =	sadd.s32 @!p0 $0x88, s6;
	s7 =	simm.s32 @p2 $0x1082  }
0x22: {  	[simem:s7], [sflag:s8] =	dma.local @!p0 [hbm:s6], $0xF7A  }
0x23: {  	s9 =	sor.u32 $0xD0000000, s2;
	s6 =	simm.s32 $0x108;
	_ =	swait.ge @!p0 [sflag:s8], $0x0  }
0x24: {  	s3 =	sadd.s32 $0x88, s3;
	s6 =	simm.s32 @!p1 $0x1082;
	[sflag:s4] =	ssyncset.s32 $0xFFFFF086  }
0x25: {  	[simem:s6], [sflag:s4] =	dma.local [hbm:s3], $0xF7A  }
0x26: {  	[smem:$0x3FA0] =	sst s1;
	(tag) =	ssettag s2;
	_ =	strace s9  }
0x27: {  	s1 =	sld [smem:$0x3FB0]  }
0x28: {  	s2 =	sld [smem:$0x3FB1]  }
0x29: {  	s4 =	sld [smem:$0x3FB3]  }
0x2a: {  	p0 =	seq.s32 s5, $0x0;
	s5 =	sld [smem:$0x3FB4]  }
0x2b: {  	s6 =	sld [smem:$0x3FB5]  }
0x2c: {  	s7 =	sld [smem:$0x3FB6]  }
0x2d: {  	s3 =	simm.s32 $0x108;
	s8 =	sld [smem:$0x3FB7]  }
0x2e: {  	s3 =	simm.s32 @!p0 $0x1082;
	s9 =	sld [smem:$0x3FB8]  }
0x2f: {  	lr =	sadd.s32 s0, s3;
	s0 =	sld [smem:$0x3FAF]  }
0x30: {  	s3 =	sld [smem:$0x3FB2]  }
0x31: {  	[smem:$0x3FBB] =	sst s10  }
0x32: {  	s10 =	sld [smem:$0x3FB9];
	_ =	sdelay $0x3  }
0x33: {  	p0 =	seq.s32 s10, $0x1;
	s10 =	sld [smem:$0x3FBB];
	_ =	sdelay $0x3  }
0x34: {  	[smem:$0x3FBB] =	sst s10  }
0x35: {  	s10 =	sld [smem:$0x3FBA];
	_ =	sdelay $0x3  }
0x36: {  	p1 =	seq.s32 s10, $0x1;
	s10 =	sld [smem:$0x3FBB];
	_ =	sdelay $0x3  }
0x37: {  	[smem:$0x3FBB] =	sst s10  }
0x38: {  	s10 =	sld [smem:$0x3FBC]  }
0x39: {  	_ = 	snop;
	(pc) =	sbr.ind lr, $3  }
0x3a: {  	_ = 	snop  }
0x3b: {  	_ = 	snop  }
0x3c: {  	p2 =	seq.s32 s10, $0x1;
	s10 =	sld [smem:$0x3FBB]  }
0x3d: {  	_ =	shalt  }
0x3e: {  	_ =	shalt  }
0x3f: {  	_ =	shalt  }
0x40: {  	_ =	shalt  }
0x41: {  	_ =	shalt  }
0x42: {  	_ =	shalt  }
0x43: {  	_ =	shalt  }
0x44: {  	_ =	shalt  }
0x45: {  	_ =	shalt  }
0x46: {  	_ =	shalt  }
0x47: {  	_ =	shalt  }
0x48: {  	_ =	shalt  }
0x49: {  	_ =	shalt  }
0x4a: {  	_ =	shalt  }
0x4b: {  	_ =	shalt  }
0x4c: {  	_ =	shalt  }
0x4d: {  	_ =	shalt  }
0x4e: {  	_ =	shalt  }
0x4f: {  	_ =	shalt  }
0x50: {  	_ =	shalt  }
0x51: {  	_ =	shalt  }
0x52: {  	_ =	shalt  }
0x53: {  	_ =	shalt  }
0x54: {  	_ =	shalt  }
0x55: {  	_ =	shalt  }
0x56: {  	_ =	shalt  }
0x57: {  	_ =	shalt  }
0x58: {  	_ =	shalt  }
0x59: {  	_ =	shalt  }
0x5a: {  	_ =	shalt  }
0x5b: {  	_ =	shalt  }
0x5c: {  	_ =	shalt  }
0x5d: {  	_ =	shalt  }
0x5e: {  	_ =	shalt  }
0x5f: {  	_ =	shalt  }
0x60: {  	_ =	shalt  }
0x61: {  	_ =	shalt  }
0x62: {  	_ =	shalt  }
0x63: {  	_ =	shalt  }
0x64: {  	_ =	shalt  }
0x65: {  	_ =	shalt  }
0x66: {  	_ =	shalt  }
0x67: {  	_ =	shalt  }
0x68: {  	_ =	shalt  }
0x69: {  	_ =	shalt  }
0x6a: {  	_ =	shalt  }
0x6b: {  	_ =	shalt  }
0x6c: {  	_ =	shalt  }
0x6d: {  	_ =	shalt  }
0x6e: {  	_ =	shalt  }
0x6f: {  	_ =	shalt  }
0x70: {  	_ =	shalt  }
0x71: {  	_ =	shalt  }
0x72: {  	_ =	shalt  }
0x73: {  	_ =	shalt  }
0x74: {  	_ =	shalt  }
0x75: {  	_ =	shalt  }
0x76: {  	_ =	shalt  }
0x77: {  	_ =	shalt  }
0x78: {  	_ =	shalt  }
0x79: {  	_ =	shalt  }
0x7a: {  	_ =	shalt  }
0x7b: {  	_ =	shalt  }
0x7c: {  	_ =	shalt  }
0x7d: {  	_ =	shalt  }
0x7e: {  	_ =	shalt  }
0x7f: {  	_ =	shalt  }
0x80: {  	_ =	shalt  }
0x81: {  	_ =	shalt  }
0x82: {  	_ =	shalt  }
0x83: {  	_ =	shalt  }
0x84: {  	_ =	shalt  }
0x85: {  	_ =	shalt  }
0x86: {  	_ =	shalt  }
0x87: {  	_ =	shalt  }
.Lfunc_end0:
.L_simem_size_0:
called_computation_lowered:
.L_overlay_start_0:
0x88: {  	s2 =	sld [smem:$0x3FD9]  }
0x89: {  	s3 =	sld [smem:$0x3FFE];
	_ =	sdelay $0x1  }
0x8a: {  	s1 =	srdreg.scid  }
0x8b: {  	s0 =	sand.u32 $0x1, s1  }
0x8c: {  	s17 =	sshll.u32 s0, $0xA;
	s2 =	sadd.s32 s3, s2  }
0x8d: {  	s2 =	sadd.s32 s2, s17  }
0x8e: {  	[smem:$0x3FC7] =	sst s2  }
0x8f: {  	_ = 	snop  }
0x90: {  	s2 =	sld [smem:$0x3FD0];
	(tm) =	ssettm $0x1  }
0x91: {  	s18 =	sld [smem:$0x3FFB];
	_ =	sdelay $0x3  }
0x92: {  	_ =	strace s18  }
0x93: {  	s3 =	sld [smem:$0x3FFC];
	_ =	sdelay $0x3  }
0x94: {  	_ =	strace s3  }
0x95: {  	s3 =	sld [smem:$0x3FFD];
	_ =	sdelay $0x3  }
0x96: {  	_ =	strace s3  }
0x97: {  	_ =	strace $0x8FFFFFFF  }
0x98: {  	s19 =	sld [smem:$0x3FDB];
	_ =	sdelay $0x1  }
0x99: {  	s4 =	simm.s32 $_scs_section_size  }
0x9a: {  	s5 =	simm.s32 $_size__tile_overlayer_lowered;
	s6 =	simm.s32 $_tile_overlayer_lowered  }
0x9b: {  	s22 =	simm.s32 $0x1BFF;
	s21 =	sshll.u32 s6, $0x1;
	s3 =	sadd.s32 s4, s19  }
0x9c: {  	s7 =	simm.s32 $0x0;
	s20 =	sshll.u32 s5, $0x1;
	s5 =	sadd.s32 s21, s3  }
0x9d: {  	[timem:s7], [sflag:s22] =	dma.local [hbm:s5], s20  }
0x9e: {  	_ =	swait.ge [sflag:s22], s20  }
0x9f: {  	s4 =	ssub.s32 $0x0, s20;
	[sflag:s22] =	ssyncset.done $0x0  }
0xa0: {  	[sflag:s22] =	ssyncadd.s32 s4;
	_ =	sdelay $0x1  }
0xa1: {  	s23 =	simm.s32 $0x1B8B  }
0xa2: {  	_ =	swait.ge [sflag:s23], $0x1  }
0xa3: {  	[sflag:s23] =	ssyncset.done $0x0  }
0xa4: {  	s25 =	simm.s32 $0x1B8E;
	s24 =	sld [smem:$0x3FFE];
	[sflag:s23] =	ssyncadd.s32 $0xFFFFFFFF  }
0xa5: {  	s26 =	simm.s32 $execute0_lowered;
	[smem:$0x3FD2] =	sst s25  }
0xa6: {  	s5 =	sshll.u32 s26, $0x1;
	_ =	strace $0x80000046;
	[dreg:$0x1] =	wrdreg $0xFFFFFFFF  }
0xa7: {  	s28 =	simm.s32 $_size_execute0_lowered;
	s3 =	sadd.s32 s3, s5;
	[dreg:$0x0] =	wrdreg $0x0  }
0xa8: {  	s5 =	sshll.u32 s28, $0x1;
	[dreg:$0x2] =	wrdreg s3  }
0xa9: {  	[dreg:$0x3] =	wrdreg s5  }
0xaa: {  	[dreg:$0x4] =	wrdreg $0xC0  }
0xab: {  	_ =	task [dreg:s7], $0x5FFFF  }
0xac: {  	[dreg:$0x1] =	wrdreg $0xFFFFFFFF  }
0xad: {  	[dreg:$0x0] =	wrdreg $0x60  }
0xae: {  	[dreg:$0x2] =	wrdreg s24  }
0xaf: {  	[dreg:$0x3] =	wrdreg s2  }
0xb0: {  	[dreg:$0x4] =	wrdreg $0x20800  }
0xb1: {  	[dreg:$0x5] =	wrdreg $0x9  }
0xb2: {  	_ =	task.clear_ibuf [dreg:s7], $0x6FFFF;
	_ =	strace $0x90000046  }
0xb3: {  	s29 =	simm.s32 $0x9;
	_ =	strace $0x80000048  }
0xb4: {  	_ =	swait.ge [sflag:s29], $0x1  }
0xb5: {  	[sflag:s29] =	ssyncadd.s32 $0xFFFFFFFF  }
0xb6: {  	_ =	strace $0x90000048  }
0xb7: {  	_ =	sfence  }
0xb8: {  	s30 =	sld [smem:$0x0];
	_ =	sdelay $0x2  }
0xb9: {  	s31 =	sshll.u32 s1, $0xD;
	s1 =	sshrl.u32 s1, $0x2  }
0xba: {  	s3 =	sand.u32 $0x4000, s31;
	s1 =	sadd.s32 s1, s30  }
0xbb: {  	s0 =	sor.u32 s3, s0;
	s1 =	sshll.u32 s1, $0x11  }
0xbc: {  	s0 =	sor.u32 s1, s0  }
0xbd: {  	s0 =	sadd.s32 $0x8F2B, s0  }
0xbe: {  	[sflag:s0] =	ssyncadd.remote.s32 $0x1  }
0xbf: {  	_ =	sfence.sel $0xFFFF  }
0xc0: {  	[dreg:$0x0] =	wrdreg $0xFFFFFFFF;
	(pc) =	sbr.abs _section_cstart, $3  }
0xc1: {  	[dreg:$0x1] =	wrdreg $0xFFFFFFFF  }
0xc2: {  	_ =	task.clear_ibuf [dreg:s7], $0x2FFFF;
	_ =	strace $0x9FFFFFFF  }
0xc3: {  	(tm) =	ssettm $0x7FFFFFFF  }
tec
execute0_lowered:
.L_overlay_start_1:
0x0: {  	(tag) =	ssettag $0x1  }
0x1: {  	v0 =	vimm.s32 $0xEFCDAB89  }
0x2: {  	v1 =	vimm.s32 $0x67452301;
	v60 =	vimm.s32 $0xDCFE98BA;
	v3 =	vimm.s32 $0x54761032  }
0x3: {  	v4 =	vimm.s32 $0xBA98FEDC;
	v5 =	vimm.s32 $0x32107654;
	v6 =	vimm.s32 $0xFEDCBA98  }
0x4: {  	v7 =	vimm.s32 $0x76543210;
	v0 =	vunpack.c.l.s4.s8 v0;
	v1 =	vunpack.c.l.s4.s8 v1  }
0x5: {  	s3 =	rddreg [dreg:$0x0];
	v3 =	vunpack.c.l.s4.s8 v3;
	v4 =	vunpack.c.l.s4.s8 v4;
	v5 =	vunpack.c.l.s4.s8 v5  }
0x6: {  	s5 =	rddreg [dreg:$0x1];
	v6 =	vunpack.c.l.s4.s8 v6;
	v0 =	vunpack.c.0.s8.s32 v0;
	v1 =	vunpack.c.0.s8.s32 v1  }
0x7: {  	s1 =	rddreg [dreg:$0x2];
	v7 =	vunpack.c.l.s4.s8 v7;
	v4 =	vunpack.c.0.s8.s32 v4;
	v5 =	vunpack.c.0.s8.s32 v5  }
0x8: {  	s4 =	srdreg.scid;
	s0 =	rddreg [dreg:$0x3];
	s2 =	simm.s32 $0x0;
	v6 =	vunpack.c.0.s8.s32 v6;
	v0 =	vcombine.low v1, v0;
	v1 =	vunpack.c.l.s4.s8 v60  }
0x9: {  	s8 =	stileid.u32;
	s6 =	sand.u32 $0x1, s4;
	[smem:$0x7FF] =	sst s2;
	v3 =	vunpack.c.0.s8.s32 v3;
	v7 =	vunpack.c.0.s8.s32 v7  }
0xa: {  	s3 =	sadd.s32 $0x400, s3;
	s31 =	sshll.u32 s8, $0x7;
	p0 =	sne.s32 s8, $0x0;
	v62 =	vcombine.low v5, v4;
	v5 =	vand.u32 $0xF, v6;
	v1 =	vunpack.c.0.s8.s32 v1  }
0xb: {  	v2 =	vmov s8;
	s8 =	simm.s32 $0x1800;
	s4 =	ssub.s32 $0x2, s6;
	s9 =	sshll.u32 s6, $0x7;
	v63 =	vcombine.low v5, v7;
	[tilespmem:$0x1FFC0] =	vst v0  }
0xc: {  	s6 =	sshll.u32 s6, $0x4;
	s7 =	sshrl.u32 s4, $0x1;
	_ =	strace $0x80000047;
	[tilespmem:$0x1FFE0] =	vst v62;
	v61 =	vcombine.low v3, v1  }
0xd: {  	s5 =	sadd.s32 s5, s6;
	s7 =	ssub.s32 s4, s7;
	s4 =	sadd.s32 s31, s1;
	v4 =	vimm.f32 $1.000000000e+00;
	[tilespmem:$0x1FFF0] =	vst v63  }
0xe: {  	v60 =	vbroadcast v2, $0x0;
	s6 =	smax.u32 s7, $0x1;
	s7 =	simm.s32 $0x1;
	v4 =	vand.u32 $0x7FFFFFFF, v4;
	[tilespmem:$0x1FFD0] =	vst v61;
	v61 =	vmov s9;
	s9 =	simm.s32 $0x0  }
.LBB2_1:
0xf: {  	[tilespmem:s2], [sflag:$0x1] =	stream.linear.gather [hbm4b:s3+s2], $0x1800, $0x38;
	[tilespmem:$0x2110] =	vst v63  }
0x10: {  	_ =	swait.ge [sflag:s7], $0x1800  }
0x11: {  	[sflag:s7] =	ssyncset.done $0x0  }
0x12: {  	[sflag:s7] =	ssyncadd.s32 $0xFFFFE800  }
0x13: {  	v7 =	vld [tilespmem:$0xC80]  }
0x14: {  	v8 =	vld [tilespmem:$0xD00]  }
0x15: {  	v9 =	vld [tilespmem:$0xD80]  }
0x16: {  	v10 =	vld [tilespmem:$0xE00]  }
0x17: {  	v11 =	vld [tilespmem:$0xA80]  }
0x18: {  	v12 =	vld [tilespmem:$0xB00]  }
0x19: {  	v13 =	vld [tilespmem:$0xB80]  }
0x1a: {  	v14 =	vld [tilespmem:$0xC00]  }
0x1b: {  	v15 =	vld [tilespmem:$0x880]  }
0x1c: {  	s10 =	simm.s32 $0x0;
	v16 =	vld [tilespmem:$0x900]  }
0x1d: {  	v19 =	vld.idx.msk [tilespmem:v61+s10+$0x1000 ss:$0x1], $0xffff  }
0x1e: {  	v17 =	vld [tilespmem:$0x980]  }
0x1f: {  	v18 =	vld [tilespmem:$0xA00]  }
0x20: {  	v20 =	vld [tilespmem:$0x800]  }
0x21: {  	v21 =	vld [tilespmem:$0x480]  }
0x22: {  	v22 =	vld [tilespmem:$0x500];
	v19 =	vperm.xlane v19, v60  }
0x23: {  	v25 =	vld.idx.msk [tilespmem:v61+s10+$0x0 ss:$0x1], $0xffff  }
0x24: {  	v23 =	vld [tilespmem:$0x580];
	v28 =	vsub.f32 v19, v7  }
0x25: {  	v24 =	vld [tilespmem:$0x600];
	v8 =	vsub.f32 v19, v8;
	v29 =	vsub.f32 v19, v9  }
0x26: {  	v26 =	vld [tilespmem:$0x280];
	v30 =	vsub.f32 v19, v10;
	v11 =	vsub.f32 v19, v11  }
0x27: {  	v27 =	vld [tilespmem:$0x300];
	v33 =	vsub.f32 v19, v12;
	v34 =	vsub.f32 v19, v13  }
0x28: {  	v1 =	vld [tilespmem:$0x400];
	v37 =	vsub.f32 v19, v14;
	v12 =	vperm.xlane v25, v60;
	v25 =	vsub.f32 v19, v15  }
0x29: {  	v2 =	vld [tilespmem:$0x80];
	v38 =	vsub.f32 v19, v16;
	v39 =	vsub.f32 v19, v17  }
0x2a: {  	v40 =	vsub.f32 v19, v18;
	v19 =	vsub.f32 v19, v20  }
0x2b: {  	v21 =	vsub.f32 v12, v21;
	v22 =	vsub.f32 v12, v22  }
0x2c: {  	v41 =	vsub.f32 v12, v23;
	v42 =	vsub.f32 v12, v26  }
0x2d: {  	v43 =	vsub.f32 v12, v24;
	v44 =	vsub.f32 v12, v27  }
0x2e: {  	v46 =	vsub.f32 v12, v2;
	v47 =	vsub.f32 v12, v1  }
0x2f: {  	v31 =	vadd.f32 $-9.999999770e-03, v28;
	v32 =	vadd.f32 $-9.999999770e-03, v8  }
0x30: {  	v29 =	vadd.f32 $-9.999999770e-03, v29;
	v30 =	vadd.f32 $-9.999999770e-03, v30  }
0x31: {  	v36 =	vadd.f32 $-9.999999770e-03, v11;
	v34 =	vadd.f32 $-9.999999770e-03, v34  }
0x32: {  	v27 =	vadd.f32 $-9.999999770e-03, v25;
	v28 =	vadd.f32 $-9.999999770e-03, v38  }
0x33: {  	v62 =	vimm.f32 $0.0e+00;
	v26 =	vadd.f32 $-9.999999770e-03, v39;
	v24 =	vadd.f32 $-9.999999770e-03, v19  }
0x34: {  	v25 =	vadd.f32 $-9.999999770e-03, v40;
	v11 =	vimm.s32 $0x0;
	v20 =	vmin.f32 v21, $0.0e+00  }
0x35: {  	v17 =	vmin.f32 v22, $0.0e+00;
	v23 =	vmin.f32 v42, $0.0e+00;
	v18 =	vmin.f32 v44, $0.0e+00  }
0x36: {  	v7 =	vld [tilespmem:$0x380];
	v0 =	vmin.f32 v46, $0.0e+00;
	v19 =	vand.u32 $0x7FFFFFFF, v21;
	v21 =	vand.u32 $0x7FFFFFFF, v22  }
0x37: {  	v13 =	vld [tilespmem:$0x100];
	v22 =	vand.u32 $0x7FFFFFFF, v41;
	v53 =	vand.u32 $0x7FFFFFFF, v43;
	v54 =	vand.u32 $0x7FFFFFFF, v42  }
0x38: {  	v14 =	vld [tilespmem:$0x180];
	v55 =	vand.u32 $0x7FFFFFFF, v44;
	v57 =	vand.u32 $0x7FFFFFFF, v47;
	v58 =	vand.u32 $0x7FFFFFFF, v46  }
0x39: {  	v15 =	vld [tilespmem:$0x200];
	v9 =	vand.u32 $0x80000000, v31;
	vm3 =	vlt.f32 v31, $0.0e+00;
	vm4 =	vgt.f32 v31, $0.0e+00  }
0x3a: {  	v16 =	vld [tilespmem:$0x0];
	vm5 =	vlt.f32 v32, $0.0e+00;
	vm6 =	vgt.f32 v32, $0.0e+00;
	vm8 =	vlt.f32 v29, $0.0e+00  }
0x3b: {  	vm9 =	vgt.f32 v29, $0.0e+00;
	vm10 =	vlt.f32 v30, $0.0e+00;
	vm11 =	vlt.f32 v36, $0.0e+00  }
0x3c: {  	vm12 =	vgt.f32 v30, $0.0e+00;
	vm13 =	vgt.f32 v36, $0.0e+00;
	vm0 =	vlt.f32 v34, $0.0e+00  }
0x3d: {  	vm1 =	vgt.f32 v34, $0.0e+00;
	v40 =	vand.u32 $0x80000000, v27;
	v45 =	vsub.f32 v12, v7  }
0x3e: {  	v38 =	vand.u32 $0x80000000, v28;
	v48 =	vsub.f32 v12, v13;
	v49 =	vsub.f32 v12, v14  }
0x3f: {  	vm15 =	vgt.f32 v25, $0.0e+00;
	v50 =	vsub.f32 v12, v16;
	v51 =	vsub.f32 v12, v15  }
0x40: {  	v15 =	vmin.f32 v41, $0.0e+00;
	v19 =	vsub.f32 $0.0e+00, v19;
	v21 =	vsub.f32 $0.0e+00, v21  }
0x41: {  	v16 =	vmin.f32 v43, $0.0e+00;
	v22 =	vsub.f32 $0.0e+00, v22;
	v43 =	vsub.f32 $0.0e+00, v53  }
0x42: {  	v14 =	vmin.f32 v47, $0.0e+00;
	v44 =	vsub.f32 $0.0e+00, v54;
	v39 =	vsub.f32 $0.0e+00, v55  }
0x43: {  	v41 =	vsub.f32 $0.0e+00, v57;
	v46 =	vsub.f32 $0.0e+00, v58;
	v53 =	vand.u32 $0x80000000, v29  }
0x44: {  	v54 =	vand.u32 $0x80000000, v30;
	v55 =	vand.u32 $0x80000000, v36;
	v57 =	vand.u32 $0x80000000, v34  }
0x45: {  	vm3 =	vmor vm4, vm3;
	vm8 =	vmor vm9, vm8;
	vm12 =	vmor vm12, vm10  }
0x46: {  	vm13 =	vmor vm13, vm11;
	v58 =	vimm.s32 $0x0;
	vm11 =	vgt.f32 v26, $0.0e+00  }
0x47: {  	vm1 =	vmor vm1, vm0;
	vm0 =	vlt.f32 v25, $0.0e+00;
	vm10 =	vmmov vm3  }
0x48: {  	vm3 =	vgt.f32 v28, $0.0e+00;
	v55 =	vor.u32 v55, v4;
	v57 =	vor.u32 v57, v4  }
0x49: {  	v13 =	vmin.f32 v45, $0.0e+00;
	v10 =	vmin.f32 v48, $0.0e+00;
	v35 =	vmin.f32 v49, $0.0e+00  }
0x4a: {  	v63 =	vmin.f32 v51, $0.0e+00;
	v56 =	vand.u32 $0x7FFFFFFF, v45;
	v59 =	vand.u32 $0x7FFFFFFF, v48  }
0x4b: {  	[tilespmem:$0x1FF30] =	vst v0;
	v0 =	vand.u32 $0x7FFFFFFF, v49;
	v1 =	vand.u32 $0x7FFFFFFF, v51;
	v2 =	vand.u32 $0x7FFFFFFF, v50  }
0x4c: {  	v52 =	vmin.f32 v50, $0.0e+00;
	v19 =	vmul.f32 $1.442695020e+00, v19;
	[tilespmem:$0x1FF50] =	vst v35;
	v35 =	vadd.f32 $-9.999999770e-03, v33  }
0x4d: {  	v21 =	vmul.f32 $1.442695020e+00, v21;
	v33 =	vadd.f32 $-9.999999770e-03, v37;
	v45 =	vsub.f32 $0.0e+00, v56  }
0x4e: {  	v22 =	vmul.f32 $1.442695020e+00, v22;
	v47 =	vsub.f32 $0.0e+00, v59;
	v48 =	vsub.f32 $0.0e+00, v0  }
0x4f: {  	v49 =	vor.u32 v53, v4;
	[tilespmem:$0x1FF40] =	vst v10;
	v8 =	vsub.f32 $0.0e+00, v1;
	v50 =	vsub.f32 $0.0e+00, v2  }
0x50: {  	[tilespmem:$0x1FF60] =	vst v52;
	v52 =	vand.u32 $0x80000000, v32;
	v10 =	vimm.s32 $0x0;
	v37 =	vimm.s32 $0x0  }
0x51: {  	v59 =	vimm.s32 $0x0;
	(erf) = vpow2.f32 v19;
	v19 =	vmul.f32 $1.442695020e+00, v43  }
0x52: {  	v43 =	vor.u32 v9, v4;
	v56 =	vand.u32 $0x80000000, v35;
	vm2 =	vlt.f32 v35, $0.0e+00  }
0x53: {  	vm14 =	vgt.f32 v35, $0.0e+00;
	v42 =	vand.u32 $0x80000000, v33;
	vm7 =	vlt.f32 v33, $0.0e+00  }
0x54: {  	vm4 =	vgt.f32 v33, $0.0e+00;
	(erf) = vpow2.f32 v21;
	v21 =	vmul.f32 $1.442695020e+00, v44  }
0x55: {  	v0 =	vsel vm7, $0xFFFFFFFF, v10;
	vm7 =	vlt.f32 v27, $0.0e+00;
	(erf) = vpow2.f32 v22  }
0x56: {  	v22 =	vmul.f32 $1.442695020e+00, v39;
	vm14 =	vmor vm14, vm2;
	v39 =	vand.u32 $0x80000000, v25  }
0x57: {  	v56 =	vor.u32 v56, v4;
	vm2 =	vgt.f32 v24, $0.0e+00;
	[tilespmem:$0x1FF70] =	vst v0;
	v0 =	vsel vm7, $0xFFFFFFFF, v11  }
0x58: {  	vm7 =	vmor vm6, vm5;
	vm6 =	vgt.f32 v27, $0.0e+00;
	(erf) = vpow2.f32 v19  }
0x59: {  	vm5 =	vlt.f32 v28, $0.0e+00;
	v19 =	vmul.f32 $1.442695020e+00, v45;
	(erf) = vpow2.f32 v21  }
0x5a: {  	[tilespmem:$0x1FF80] =	vst v0;
	v0 =	vsel vm3, $0xFFFFFFFF, v37;
	v21 =	vmul.f32 $1.442695020e+00, v41;
	(erf) = vpow2.f32 v22  }
0x5b: {  	v37 =	vand.u32 $0x80000000, v26;
	v22 =	vmul.f32 $1.442695020e+00, v46;
	(erf) = vpow2.f32 v19  }
0x5c: {  	vm3 =	vlt.f32 v26, $0.0e+00;
	v19 =	vmul.f32 $1.442695020e+00, v47;
	(erf) = vpow2.f32 v21  }
0x5d: {  	v41 =	vand.u32 $0x80000000, v24;
	v21 =	vmul.f32 $1.442695020e+00, v48;
	(erf) = vpow2.f32 v22  }
0x5e: {  	[tilespmem:$0x1FF90] =	vst v0;
	v0 =	vsel vm3, $0xFFFFFFFF, v58;
	v22 =	vmul.f32 $1.442695020e+00, v8;
	(erf) = vpow2.f32 v19;
	v44 =	vpop (erf)  }
0x5f: {  	v46 =	vor.u32 v52, v4;
	v19 =	vmul.f32 $1.442695020e+00, v50;
	(erf) = vpow2.f32 v21;
	v45 =	vpop (erf)  }
0x60: {  	v52 =	vor.u32 v54, v4;
	v21 =	vadd.f32 $2.000000000e+00, v44;
	(erf) = vpow2.f32 v22;
	v47 =	vpop (erf)  }
0x61: {  	[tilespmem:$0x1FFA0] =	vst v0;
	v0 =	vsel vm0, $0xFFFFFFFF, v59;
	v22 =	vadd.f32 $2.000000000e+00, v45;
	(erf) = vpow2.f32 v19;
	v48 =	vpop (erf)  }
0x62: {  	vm0 =	vlt.f32 v24, $0.0e+00;
	v19 =	vadd.f32 $2.000000000e+00, v47;
	(erf) = vrcp.f32 v21;
	v50 =	vpop (erf)  }
0x63: {  	v21 =	vadd.f32 $2.000000000e+00, v48;
	(erf) = vrcp.f32 v22;
	v51 =	vpop (erf);
	v58 =	vadd.f32 $2.000000000e+00, v50  }
0x64: {  	v22 =	vimm.f32 $0.0e+00;
	(erf) = vrcp.f32 v19;
	v59 =	vadd.f32 $2.000000000e+00, v51;
	v53 =	vpop (erf)  }
0x65: {  	s10 =	simm.s32 $0x400;
	[tilespmem:$0x1FFB0] =	vst v0;
	v19 =	vimm.f32 $0.0e+00;
	(erf) = vrcp.f32 v21;
	v21 =	vimm.f32 $0.0e+00;
	v54 =	vpop (erf)  }
.LBB2_2:
0x66: {  	v10 =	vadd.f32 $2.000000000e+00, v53;
	v42 =	vor.u32 v42, v4  }
0x67: {  	[tilespmem:$0x1FEA0] =	vst v14;
	v14 =	vmovc v61;
	v11 =	vadd.f32 $2.000000000e+00, v54;
	v40 =	vor.u32 v40, v4;
	v38 =	vor.u32 v38, v4  }
0x68: {  	[tilespmem:$0x1FED0] =	vst v19;
	v61 =	vpop (erf);
	v0 =	vld [tilespmem:$0x1FF70];
	v37 =	vor.u32 v37, v4;
	v39 =	vor.u32 v39, v4;
	v41 =	vor.u32 v41, v4  }
0x69: {  	[tilespmem:$0x1FEB0] =	vst v21;
	v21 =	vmovc v62;
	v9 =	vld [tilespmem:$0x1FF80];
	vm0 =	vmor vm2, vm0;
	v31 =	vsel vm10, v43, v31;
	v32 =	vsel vm7, v46, v32  }
0x6a: {  	v19 =	vmovc v63;
	v49 =	vsel vm8, v49, v29;
	v30 =	vsel vm12, v52, v30;
	v35 =	vsel vm14, v56, v35  }
0x6b: {  	v2 =	vld [tilespmem:$0x1FF90];
	(erf) = vrcp.f32 v58;
	v62 =	vpop (erf);
	v8 =	vadd.f32 $2.000000000e+00, v61;
	v41 =	vsel vm0, v41, v24  }
0x6c: {  	(erf) = vrcp.f32 v59;
	v63 =	vpop (erf);
	v3 =	vadd.f32 $2.000000000e+00, v62;
	v41 =	vmax.f32 v41, $0.0e+00  }
0x6d: {  	(erf) = vrcp.f32 v10;
	v5 =	vadd.f32 $2.000000000e+00, v63;
	v10 =	vld [tilespmem:$0x1FFA0];
	vm3 =	vnez.u8 v0  }
0x6e: {  	v0 =	vpop (erf);
	(erf) = vrcp.f32 v11;
	vm3 =	vmor vm4, vm3;
	vm4 =	vnez.u8 v9  }
0x6f: {  	v1 =	vpop (erf);
	(erf) = vrcp.f32 v8;
	v6 =	vadd.f32 $2.000000000e+00, v0;
	v8 =	vsel vm13, v55, v36  }
0x70: {  	[tilespmem:$0x1FEC0] =	vst v22;
	v22 =	vmovc v13;
	v13 =	vmovc v60;
	v9 =	vsel vm1, v57, v34;
	vm4 =	vmor vm6, vm4;
	vm6 =	vnez.u8 v2  }
0x71: {  	v11 =	vld [tilespmem:$0x1FFB0];
	(erf) = vrcp.f32 v3;
	v60 =	vpop (erf);
	v7 =	vadd.f32 $2.000000000e+00, v1;
	v33 =	vsel vm3, v42, v33  }
0x72: {  	vm5 =	vmor vm6, vm5;
	(erf) = vrcp.f32 v5;
	v58 =	vpop (erf);
	vm6 =	vnez.u8 v10  }
0x73: {  	v40 =	vsel vm4, v40, v27;
	v42 =	vmul.f32 v60, v44;
	vm6 =	vmor vm11, vm6;
	v59 =	vpop (erf)  }
0x74: {  	(erf) = vrcp.f32 v6;
	v38 =	vsel vm5, v38, v28;
	v45 =	vmul.f32 v58, v45;
	v3 =	vpop (erf)  }
0x75: {  	v28 =	vmax.f32 v31, $0.0e+00;
	v31 =	vmax.f32 v8, $0.0e+00;
	v47 =	vmul.f32 v59, v47;
	v2 =	vpop (erf)  }
0x76: {  	vm9 =	vnez.u8 v11;
	(erf) = vrcp.f32 v7;
	v3 =	vmul.f32 v3, v48;
	v29 =	vpop (erf)  }
0x77: {  	v11 =	vsel vm6, v37, v26;
	v43 =	vmul.f32 v2, v50;
	v46 =	vmul.f32 v47, v47;
	v10 =	vpop (erf)  }
0x78: {  	v37 =	vmax.f32 v38, $0.0e+00;
	v48 =	vmul.f32 v29, v51;
	v27 =	vpop (erf);
	v50 =	vmul.f32 v10, v53  }
0x79: {  	vm9 =	vmor vm15, vm9;
	v55 =	vmul.f32 v43, v43;
	v26 =	vpop (erf);
	v53 =	vmul.f32 v27, v54  }
0x7a: {  	v39 =	vsel vm9, v39, v25;
	v56 =	vmul.f32 v48, v48;
	v51 =	vmul.f32 v26, v61  }
0x7b: {  	v38 =	vmax.f32 v39, $0.0e+00;
	v25 =	vpop (erf);
	v52 =	vmul.f32 v50, v50;
	v39 =	vmul.f32 $4.000000060e-01, v55  }
0x7c: {  	v54 =	vmul.f32 v25, v62;
	v25 =	vmax.f32 v49, $0.0e+00;
	v49 =	vmul.f32 v3, v3  }
0x7d: {  	v29 =	vmax.f32 v32, $0.0e+00;
	v24 =	vpop (erf);
	v57 =	vmul.f32 v53, v53;
	v2 =	vmul.f32 $4.000000060e-01, v56  }
0x7e: {  	v27 =	vmax.f32 v33, $0.0e+00;
	v36 =	vmul.f32 v24, v63;
	v58 =	vmul.f32 v51, v51  }
0x7f: {  	v33 =	vmax.f32 v40, $0.0e+00;
	v26 =	vpop (erf);
	v63 =	vmul.f32 $4.000000060e-01, v46;
	v6 =	vmul.f32 $4.000000060e-01, v52  }
0x80: {  	v39 =	vadd.f32 $6.666666860e-01, v39;
	v32 =	vmul.f32 v26, v0;
	v0 =	vmul.f32 v42, v42  }
0x81: {  	v24 =	vpop (erf);
	v26 =	vmax.f32 v9, $0.0e+00;
	v59 =	vmul.f32 v54, v54;
	v5 =	vmul.f32 $4.000000060e-01, v49  }
0x82: {  	v8 =	vmul.f32 $4.000000060e-01, v57;
	v2 =	vadd.f32 $6.666666860e-01, v2;
	v34 =	vmul.f32 v24, v1  }
0x83: {  	v1 =	vmul.f32 v45, v45;
	v24 =	vmax.f32 v30, $0.0e+00;
	v30 =	vmax.f32 v35, $0.0e+00  }
0x84: {  	v40 =	vmul.f32 v36, v36;
	v35 =	vmax.f32 v11, $0.0e+00;
	v7 =	vmul.f32 $4.000000060e-01, v58  }
0x85: {  	v63 =	vadd.f32 $6.666666860e-01, v63;
	v39 =	vmul.f32 v39, v55;
	v60 =	vmul.f32 v32, v32  }
0x86: {  	v6 =	vadd.f32 $6.666666860e-01, v6;
	v62 =	vmul.f32 $4.000000060e-01, v0;
	v9 =	vmul.f32 $4.000000060e-01, v59  }
0x87: {  	v5 =	vadd.f32 $6.666666860e-01, v5;
	v2 =	vmul.f32 v2, v56;
	v61 =	vmul.f32 v34, v34  }
0x88: {  	v8 =	vadd.f32 $6.666666860e-01, v8;
	v44 =	vmul.f32 $4.000000060e-01, v1;
	v10 =	vmul.f32 $4.000000060e-01, v40  }
0x89: {  	v7 =	vadd.f32 $6.666666860e-01, v7;
	v63 =	vmul.f32 v63, v46;
	v6 =	vmul.f32 v6, v52  }
0x8a: {  	v39 =	vadd.f32 $2.000000000e+00, v39;
	v46 =	vimm.s32 $0x0;
	v62 =	vadd.f32 $6.666666860e-01, v62  }
0x8b: {  	v11 =	vmul.f32 $4.000000060e-01, v60;
	v9 =	vadd.f32 $6.666666860e-01, v9;
	v5 =	vmul.f32 v5, v49  }
0x8c: {  	v8 =	vmul.f32 v8, v57;
	v2 =	vadd.f32 $2.000000000e+00, v2;
	v44 =	vadd.f32 $6.666666860e-01, v44  }
0x8d: {  	v12 =	vmul.f32 $4.000000060e-01, v61;
	v10 =	vadd.f32 $6.666666860e-01, v10;
	v7 =	vmul.f32 v7, v58  }
0x8e: {  	v6 =	vadd.f32 $2.000000000e+00, v6;
	v39 =	vmul.f32 v39, v43;
	v11 =	vadd.f32 $6.666666860e-01, v11  }
0x8f: {  	v55 =	vld [tilespmem:$0xB00];
	v0 =	vmul.f32 v62, v0;
	v9 =	vmul.f32 v9, v59;
	v12 =	vadd.f32 $6.666666860e-01, v12  }
0x90: {  	v59 =	vadd.f32 $2.000000000e+00, v63;
	v5 =	vadd.f32 $2.000000000e+00, v5;
	v11 =	vmul.f32 v11, v60;
	v60 =	vmovc v13;
	v13 =	vld [tilespmem:$0x1FF30]  }
0x91: {  	v56 =	vld [tilespmem:$0x880];
	v2 =	vmul.f32 v2, v48;
	v7 =	vadd.f32 $2.000000000e+00, v7;
	v12 =	vmul.f32 v12, v61;
	v61 =	vmovc v14  }
0x92: {  	v52 =	vld [tilespmem:$0xA80];
	v1 =	vmul.f32 v44, v1;
	v10 =	vmul.f32 v10, v40;
	v0 =	vadd.f32 $2.000000000e+00, v0  }
0x93: {  	v49 =	vld [tilespmem:$0xD80];
	v6 =	vmul.f32 v6, v50;
	v7 =	vmul.f32 v7, v51;
	v11 =	vadd.f32 $2.000000000e+00, v11  }
0x94: {  	v8 =	vadd.f32 $2.000000000e+00, v8;
	v3 =	vmul.f32 v5, v3;
	v5 =	vld [tilespmem:$0xE00];
	v0 =	vmul.f32 v0, v42  }
0x95: {  	s11 =	sshra.s32 s10, $0x2;
	v1 =	vadd.f32 $2.000000000e+00, v1;
	v11 =	vmul.f32 v11, v32;
	v7 =	vsub.f32 v13, v7;
	v13 =	vld [tilespmem:$0x1FF60]  }
0x96: {  	v40 =	vmul.f32 v59, v47;
	v0 =	vsub.f32 v20, v0;
	v20 =	vsub.f32 v23, v39;
	v23 =	vld.idx.msk [tilespmem:v61+s11+$0x1000 ss:$0x1], $0xffff  }
0x97: {  	v1 =	vmul.f32 v1, v45;
	v12 =	vadd.f32 $2.000000000e+00, v12;
	v11 =	vsub.f32 v19, v11;
	v19 =	vld [tilespmem:$0x1FEA0]  }
0x98: {  	v9 =	vadd.f32 $2.000000000e+00, v9;
	v8 =	vmul.f32 v8, v53;
	v2 =	vsub.f32 v18, v2;
	v18 =	vld [tilespmem:$0x900]  }
0x99: {  	v15 =	vsub.f32 v15, v40;
	v1 =	vsub.f32 v17, v1;
	v17 =	vld [tilespmem:$0xB80];
	v12 =	vmul.f32 v12, v34  }
0x9a: {  	v10 =	vadd.f32 $2.000000000e+00, v10;
	v9 =	vmul.f32 v9, v54;
	v3 =	vsub.f32 v16, v3;
	v16 =	vld [tilespmem:$0xC00]  }
0x9b: {  	v2 =	vmul.f32 v2, v30;
	v57 =	vmul.f32 v15, v25;
	v12 =	vsub.f32 v13, v12;
	v13 =	vld [tilespmem:$0x1FF40]  }
0x9c: {  	v3 =	vmul.f32 v3, v24;
	v8 =	vsub.f32 v19, v8;
	v19 =	vld [tilespmem:$0x1FEB0];
	v59 =	vperm.xlane v23, v60  }
0x9d: {  	v44 =	vld [tilespmem:$0xC80];
	v6 =	vsub.f32 v22, v6;
	v0 =	vmul.f32 v0, v28;
	v7 =	vmul.f32 v7, v33  }
0x9e: {  	v14 =	vld [tilespmem:$0x980];
	v12 =	vmul.f32 v12, v41;
	v5 =	vsub.f32 v59, v5;
	v24 =	vsub.f32 v59, v17  }
0x9f: {  	v28 =	vld [tilespmem:$0x800];
	v8 =	vmul.f32 v8, v27;
	v25 =	vsub.f32 v59, v16;
	v27 =	vsub.f32 v59, v56  }
0xa0: {  	v11 =	vmul.f32 v11, v38;
	v12 =	vadd.f32 v12, v21;
	v9 =	vsub.f32 v13, v9;
	v13 =	vld [tilespmem:$0x1FF50]  }
0xa1: {  	v10 =	vmul.f32 v10, v36;
	v48 =	vsub.f32 v59, v18;
	v7 =	vadd.f32 v7, v19;
	v19 =	vld [tilespmem:$0x1FEC0]  }
0xa2: {  	v42 =	vld [tilespmem:$0xD00];
	v6 =	vmul.f32 v6, v26;
	v30 =	vadd.f32 $-9.999999770e-03, v5;
	v11 =	vadd.f32 v11, v12  }
0xa3: {  	v26 =	vld [tilespmem:$0x500];
	v1 =	vmul.f32 v1, v29;
	v34 =	vadd.f32 $-9.999999770e-03, v24;
	v27 =	vadd.f32 $-9.999999770e-03, v27  }
0xa4: {  	v32 =	vld [tilespmem:$0x280];
	v9 =	vmul.f32 v9, v37;
	v8 =	vadd.f32 v8, v11;
	v11 =	vsub.f32 v59, v28  }
0xa5: {  	v15 =	vld [tilespmem:$0x400];
	v41 =	vimm.s32 $0x0;
	v28 =	vadd.f32 $-9.999999770e-03, v48;
	v10 =	vsub.f32 v13, v10  }
0xa6: {  	v13 =	vmul.f32 v20, v31;
	v62 =	vadd.f32 v3, v8;
	v9 =	vadd.f32 v9, v19;
	v19 =	vld [tilespmem:$0x1FED0]  }
0xa7: {  	v58 =	vld.idx.msk [tilespmem:v61+s11+$0x0 ss:$0x1], $0xffff;
	vm13 =	vlt.f32 v30, $0.0e+00;
	v3 =	vsub.f32 v59, v42;
	v8 =	vsub.f32 v59, v52  }
0xa8: {  	v29 =	vld [tilespmem:$0x480];
	vm12 =	vgt.f32 v30, $0.0e+00;
	v24 =	vadd.f32 $-9.999999770e-03, v11;
	v7 =	vadd.f32 v13, v7  }
0xa9: {  	v20 =	vld [tilespmem:$0xA00];
	v10 =	vmul.f32 v10, v35;
	v35 =	vsub.f32 v59, v44;
	v36 =	vadd.f32 $-9.999999770e-03, v8  }
0xaa: {  	v33 =	vld [tilespmem:$0x300];
	v40 =	vand.u32 $0x80000000, v27;
	v2 =	vadd.f32 v2, v9;
	v9 =	vsub.f32 v59, v55  }
0xab: {  	v23 =	vld [tilespmem:$0x80];
	vm6 =	vgt.f32 v27, $0.0e+00;
	v21 =	vadd.f32 v0, v7;
	v10 =	vadd.f32 v10, v19  }
0xac: {  	v12 =	vld [tilespmem:$0x580];
	vm12 =	vmor vm12, vm13;
	v7 =	vsub.f32 v59, v49;
	v49 =	vsub.f32 v59, v14  }
0xad: {  	v38 =	vand.u32 $0x80000000, v28;
	v13 =	vld [tilespmem:$0x600];
	v31 =	vadd.f32 $-9.999999770e-03, v35;
	v6 =	vadd.f32 v6, v10  }
0xae: {  	v16 =	vld [tilespmem:$0x100];
	v22 =	vadd.f32 v1, v2;
	v50 =	vsub.f32 v59, v20;
	v10 =	vperm.xlane v58, v60  }
0xaf: {  	v17 =	vld [tilespmem:$0x180];
	vm5 =	vlt.f32 v28, $0.0e+00;
	v35 =	vadd.f32 $-9.999999770e-03, v9;
	v19 =	vadd.f32 v57, v6  }
0xb0: {  	v18 =	vld [tilespmem:$0x0];
	vm2 =	vgt.f32 v24, $0.0e+00;
	v51 =	vsub.f32 v10, v29;
	v52 =	vsub.f32 v10, v26  }
0xb1: {  	vm0 =	vlt.f32 v36, $0.0e+00;
	v12 =	vsub.f32 v10, v12;
	v0 =	vsub.f32 v10, v32  }
0xb2: {  	vm14 =	vgt.f32 v36, $0.0e+00;
	v53 =	vsub.f32 v10, v13;
	v1 =	vsub.f32 v10, v33  }
0xb3: {  	v43 =	vand.u32 $0x80000000, v31;
	v54 =	vsub.f32 v10, v23;
	v55 =	vsub.f32 v10, v15  }
0xb4: {  	vm9 =	vlt.f32 v31, $0.0e+00;
	v56 =	vsub.f32 v10, v16;
	v57 =	vsub.f32 v10, v17  }
0xb5: {  	vm10 =	vgt.f32 v31, $0.0e+00;
	v58 =	vsub.f32 v10, v18;
	v32 =	vadd.f32 $-9.999999770e-03, v3  }
0xb6: {  	v43 =	vor.u32 v43, v4;
	v29 =	vadd.f32 $-9.999999770e-03, v7;
	v33 =	vadd.f32 $-9.999999770e-03, v25  }
0xb7: {  	vm10 =	vmor vm10, vm9;
	v26 =	vadd.f32 $-9.999999770e-03, v49;
	v25 =	vadd.f32 $-9.999999770e-03, v50  }
0xb8: {  	v20 =	vmin.f32 v51, $0.0e+00;
	v17 =	vmin.f32 v52, $0.0e+00;
	v15 =	vmin.f32 v12, $0.0e+00  }
0xb9: {  	v23 =	vmin.f32 v0, $0.0e+00;
	v18 =	vmin.f32 v1, $0.0e+00;
	v16 =	vmin.f32 v53, $0.0e+00  }
0xba: {  	v59 =	vmin.f32 v54, $0.0e+00;
	v63 =	vmin.f32 v56, $0.0e+00;
	v8 =	vmin.f32 v57, $0.0e+00  }
0xbb: {  	v9 =	vmin.f32 v58, $0.0e+00;
	v48 =	vand.u32 $0x7FFFFFFF, v51;
	v3 =	vand.u32 $0x7FFFFFFF, v52  }
0xbc: {  	v5 =	vand.u32 $0x7FFFFFFF, v12;
	v7 =	vand.u32 $0x7FFFFFFF, v53;
	v0 =	vand.u32 $0x7FFFFFFF, v0  }
0xbd: {  	v1 =	vand.u32 $0x7FFFFFFF, v1;
	v49 =	vand.u32 $0x7FFFFFFF, v55;
	v50 =	vand.u32 $0x7FFFFFFF, v54  }
0xbe: {  	v51 =	vand.u32 $0x7FFFFFFF, v56;
	v12 =	vand.u32 $0x7FFFFFFF, v57;
	v52 =	vand.u32 $0x7FFFFFFF, v58  }
0xbf: {  	v44 =	vand.u32 $0x80000000, v32;
	vm7 =	vlt.f32 v32, $0.0e+00;
	vm1 =	vgt.f32 v32, $0.0e+00  }
0xc0: {  	v47 =	vand.u32 $0x80000000, v29;
	vm8 =	vlt.f32 v29, $0.0e+00;
	vm3 =	vgt.f32 v29, $0.0e+00  }
0xc1: {  	v53 =	vimm.s32 $0x0;
	v54 =	vimm.s32 $0x0;
	v2 =	vsub.f32 $0.0e+00, v48  }
0xc2: {  	v56 =	vimm.s32 $0x0;
	v3 =	vsub.f32 $0.0e+00, v3;
	v5 =	vsub.f32 $0.0e+00, v5  }
0xc3: {  	v57 =	vimm.s32 $0x0;
	v7 =	vsub.f32 $0.0e+00, v7;
	v0 =	vsub.f32 $0.0e+00, v0  }
0xc4: {  	v14 =	vld [tilespmem:$0x200];
	v42 =	vand.u32 $0x80000000, v33;
	[tilespmem:$0x1FF50] =	vst v8;
	v1 =	vsub.f32 $0.0e+00, v1;
	v8 =	vsub.f32 $0.0e+00, v49  }
0xc5: {  	v6 =	vld [tilespmem:$0x380];
	v58 =	vimm.s32 $0x0;
	[tilespmem:$0x1FF60] =	vst v9;
	v9 =	vsub.f32 $0.0e+00, v50;
	v11 =	vsub.f32 $0.0e+00, v51  }
0xc6: {  	vm4 =	vgt.f32 v33, $0.0e+00;
	v12 =	vsub.f32 $0.0e+00, v12;
	v45 =	vsub.f32 $0.0e+00, v52  }
0xc7: {  	v48 =	vand.u32 $0x80000000, v30;
	v50 =	vand.u32 $0x80000000, v36;
	v37 =	vsel vm0, $0xFFFFFFFF, v53  }
0xc8: {  	[tilespmem:$0x1FF30] =	vst v59;
	v51 =	vand.u32 $0x80000000, v35;
	vm0 =	vlt.f32 v35, $0.0e+00;
	v53 =	vand.u32 $0x80000000, v34  }
0xc9: {  	v59 =	vimm.s32 $0x0;
	v49 =	vimm.s32 $0x0;
	[tilespmem:$0x1FEE0] =	vst v37;
	v37 =	vsel vm0, $0xFFFFFFFF, v54  }
0xca: {  	vm0 =	vgt.f32 v35, $0.0e+00;
	v6 =	vsub.f32 v10, v6;
	v10 =	vsub.f32 v10, v14  }
0xcb: {  	v14 =	vmin.f32 v55, $0.0e+00;
	v2 =	vmul.f32 $1.442695020e+00, v2;
	v3 =	vmul.f32 $1.442695020e+00, v3  }
0xcc: {  	v55 =	vimm.s32 $0x0;
	v5 =	vmul.f32 $1.442695020e+00, v5;
	v52 =	vmul.f32 $1.442695020e+00, v7  }
0xcd: {  	[tilespmem:$0x1FEF0] =	vst v37;
	v0 =	vmul.f32 $1.442695020e+00, v0;
	v1 =	vmul.f32 $1.442695020e+00, v1;
	v37 =	vsel vm0, $0xFFFFFFFF, v55  }
0xce: {  	vm0 =	vlt.f32 v34, $0.0e+00;
	v55 =	vmul.f32 $1.442695020e+00, v8;
	v13 =	vmin.f32 v6, $0.0e+00  }
0xcf: {  	[tilespmem:$0x1FF40] =	vst v63;
	v63 =	vmin.f32 v10, $0.0e+00;
	v6 =	vand.u32 $0x7FFFFFFF, v6;
	v10 =	vand.u32 $0x7FFFFFFF, v10  }
0xd0: {  	[tilespmem:$0x1FF00] =	vst v37;
	v37 =	vsel vm0, $0xFFFFFFFF, v56;
	vm0 =	vgt.f32 v34, $0.0e+00;
	(erf) = vpow2.f32 v2  }
0xd1: {  	v56 =	vmul.f32 $1.442695020e+00, v9;
	v6 =	vsub.f32 $0.0e+00, v6;
	(erf) = vpow2.f32 v3  }
0xd2: {  	v10 =	vsub.f32 $0.0e+00, v10;
	[tilespmem:$0x1FF10] =	vst v37;
	v37 =	vsel vm0, $0xFFFFFFFF, v57;
	(erf) = vpow2.f32 v5  }
0xd3: {  	vm0 =	vlt.f32 v33, $0.0e+00;
	v57 =	vmul.f32 $1.442695020e+00, v11;
	(erf) = vpow2.f32 v52  }
0xd4: {  	[tilespmem:$0x1FF20] =	vst v37;
	v37 =	vsel vm0, $0xFFFFFFFF, v58;
	v54 =	vmul.f32 $1.442695020e+00, v6;
	(erf) = vpow2.f32 v0  }
0xd5: {  	vm0 =	vlt.f32 v27, $0.0e+00;
	v58 =	vmul.f32 $1.442695020e+00, v12;
	(erf) = vpow2.f32 v1  }
0xd6: {  	[tilespmem:$0x1FF70] =	vst v37;
	v37 =	vsel vm0, $0xFFFFFFFF, v59;
	vm0 =	vgt.f32 v28, $0.0e+00;
	(erf) = vpow2.f32 v54  }
0xd7: {  	[tilespmem:$0x1FF80] =	vst v37;
	v37 =	vsel vm0, $0xFFFFFFFF, v41;
	vm0 =	vlt.f32 v26, $0.0e+00;
	(erf) = vpow2.f32 v55  }
0xd8: {  	v59 =	vmul.f32 $1.442695020e+00, v10;
	v39 =	vsel vm0, $0xFFFFFFFF, v46;
	(erf) = vpow2.f32 v56  }
0xd9: {  	vm0 =	vlt.f32 v25, $0.0e+00;
	v46 =	vor.u32 v44, v4;
	(erf) = vpow2.f32 v57;
	v44 =	vpop (erf)  }
0xda: {  	v8 =	vmul.f32 $1.442695020e+00, v45;
	v41 =	vsel vm0, $0xFFFFFFFF, v49;
	(erf) = vpow2.f32 v58;
	v45 =	vpop (erf)  }
0xdb: {  	v10 =	vld [tilespmem:$0x1FEE0];
	v49 =	vor.u32 v47, v4;
	v9 =	vadd.f32 $2.000000000e+00, v44;
	(erf) = vpow2.f32 v59;
	v47 =	vpop (erf)  }
0xdc: {  	v52 =	vor.u32 v48, v4;
	v54 =	vld [tilespmem:$0x1FF20];
	v1 =	vadd.f32 $2.000000000e+00, v45;
	(erf) = vpow2.f32 v8;
	v48 =	vpop (erf)  }
0xdd: {  	v55 =	vor.u32 v50, v4;
	v11 =	vadd.f32 $2.000000000e+00, v47;
	v8 =	vld [tilespmem:$0x1FEF0];
	v50 =	vpop (erf);
	(erf) = vrcp.f32 v9  }
0xde: {  	vm11 =	vgt.f32 v26, $0.0e+00;
	v56 =	vor.u32 v51, v4;
	v9 =	vld [tilespmem:$0x1FF00];
	v51 =	vpop (erf);
	(erf) = vrcp.f32 v1  }
0xdf: {  	vm15 =	vgt.f32 v25, $0.0e+00;
	v57 =	vor.u32 v53, v4;
	v53 =	vpop (erf);
	(erf) = vrcp.f32 v11;
	v11 =	vld [tilespmem:$0x1FF10]  }
0xe0: {  	p1 =	sne.s32 s10, $0x1800;
	vm7 =	vmor vm1, vm7;
	vm8 =	vmor vm3, vm8;
	[tilespmem:$0x1FF90] =	vst v37;
	v37 =	vand.u32 $0x80000000, v26  }
.Ltmp0:
0xe1: {  	[tilespmem:$0x1FFA0] =	vst v39;
	v39 =	vand.u32 $0x80000000, v25;
	vm0 =	vlt.f32 v24, $0.0e+00;
	vm1 =	vnez.u8 v10;
	(pc) =	sbr.rel @p1 .LBB2_2-.Ltmp0, $4  }
0xe2: {  	[tilespmem:$0x1FFB0] =	vst v41;
	v41 =	vand.u32 $0x80000000, v24;
	vm13 =	vmor vm14, vm1;
	v10 =	vadd.f32 $2.000000000e+00, v48  }
0xe3: {  	v58 =	vadd.f32 $2.000000000e+00, v50;
	vm1 =	vnez.u8 v8;
	vm3 =	vnez.u8 v9  }
0xe4: {  	vm14 =	vmor vm3, vm1;
	vm3 =	vnez.u8 v54;
	vm1 =	vnez.u8 v11  }
0xe5: {  	s10 =	sadd.s32 $0x400, s10;
	v59 =	vadd.f32 $2.000000000e+00, v51;
	v54 =	vpop (erf);
	(erf) = vrcp.f32 v10;
	vm1 =	vmor vm3, vm1  }
0xe6: {  	v0 =	vadd.f32 $2.000000000e+00, v53;
	v1 =	vpop (erf);
	(erf) = vrcp.f32 v58  }
0xe7: {  	v2 =	vadd.f32 $2.000000000e+00, v54;
	v10 =	vld [tilespmem:$0x1FF70];
	vm0 =	vmor vm2, vm0;
	v36 =	vsel vm13, v55, v36  }
0xe8: {  	v35 =	vsel vm14, v56, v35;
	v40 =	vor.u32 v40, v4;
	v3 =	vpop (erf);
	(erf) = vrcp.f32 v59  }
0xe9: {  	v58 =	vld [tilespmem:$0x1FF80];
	v37 =	vor.u32 v37, v4;
	v5 =	vadd.f32 $2.000000000e+00, v1;
	v6 =	vpop (erf);
	(erf) = vrcp.f32 v0  }
0xea: {  	v11 =	vld [tilespmem:$0x1FF90];
	v39 =	vor.u32 v39, v4;
	v59 =	vadd.f32 $2.000000000e+00, v3;
	v7 =	vpop (erf);
	(erf) = vrcp.f32 v2  }
0xeb: {  	v12 =	vadd.f32 $2.000000000e+00, v6;
	v8 =	vpop (erf);
	(erf) = vrcp.f32 v5;
	v5 =	vadd.f32 $2.000000000e+00, v7  }
0xec: {  	(erf) = vrcp.f32 v59;
	v9 =	vadd.f32 $2.000000000e+00, v8;
	vm3 =	vnez.u8 v10;
	v59 =	vld [tilespmem:$0x1FFA0]  }
0xed: {  	v41 =	vor.u32 v41, v4;
	v0 =	vpop (erf);
	(erf) = vrcp.f32 v12;
	vm9 =	vmor vm4, vm3;
	v12 =	vld [tilespmem:$0x1FFB0]  }
0xee: {  	v2 =	vpop (erf);
	vm3 =	vnez.u8 v58;
	v0 =	vmul.f32 v0, v44;
	(erf) = vrcp.f32 v5  }
0xef: {  	vm6 =	vmor vm6, vm3;
	vm3 =	vnez.u8 v11;
	v2 =	vmul.f32 v2, v45;
	v5 =	vpop (erf)  }
0xf0: {  	(erf) = vrcp.f32 v9;
	vm5 =	vmor vm3, vm5;
	v27 =	vsel vm6, v40, v27;
	v9 =	vpop (erf)  }
0xf1: {  	v5 =	vmul.f32 v5, v47;
	vm3 =	vnez.u8 v59;
	v9 =	vmul.f32 v9, v48  }
0xf2: {  	vm4 =	vmor vm11, vm3;
	vm11 =	vnez.u8 v12;
	v12 =	vsel vm10, v43, v31  }
0xf3: {  	v10 =	vpop (erf);
	v43 =	vsel vm7, v46, v32;
	v31 =	vsel vm8, v49, v29;
	v29 =	vsel vm12, v52, v30  }
0xf4: {  	v11 =	vpop (erf);
	v30 =	vsel vm1, v57, v34;
	v10 =	vmul.f32 v10, v50;
	v34 =	vmul.f32 v2, v2  }
0xf5: {  	v52 =	vor.u32 v42, v4;
	v40 =	vmul.f32 v5, v5;
	v46 =	vpop (erf);
	v11 =	vmul.f32 v11, v51  }
0xf6: {  	v32 =	vsel vm9, v52, v33;
	v42 =	vmul.f32 v9, v9;
	v33 =	vmul.f32 v46, v53  }
0xf7: {  	v24 =	vsel vm0, v41, v24;
	v58 =	vpop (erf);
	v44 =	vmul.f32 v10, v10;
	v52 =	vmul.f32 $4.000000060e-01, v34  }
0xf8: {  	v26 =	vsel vm4, v37, v26;
	v53 =	vmul.f32 $4.000000060e-01, v40;
	v45 =	vmul.f32 v58, v54  }
0xf9: {  	v59 =	vpop (erf);
	v58 =	vor.u32 v38, v4;
	v38 =	vmul.f32 v0, v0;
	v37 =	vmul.f32 v11, v11  }
0xfa: {  	vm3 =	vmor vm15, vm11;
	v50 =	vpop (erf);
	v1 =	vmul.f32 v59, v1;
	v46 =	vmul.f32 v33, v33  }
0xfb: {  	v12 =	vmax.f32 v12, $0.0e+00;
	v54 =	vmul.f32 $4.000000060e-01, v44;
	v3 =	vmul.f32 v50, v3  }
0xfc: {  	v52 =	vadd.f32 $6.666666860e-01, v52;
	v55 =	vpop (erf);
	v47 =	vmul.f32 v45, v45;
	v59 =	vmul.f32 $4.000000060e-01, v38  }
0xfd: {  	v53 =	vadd.f32 $6.666666860e-01, v53;
	v6 =	vmul.f32 v55, v6;
	v48 =	vmul.f32 v1, v1  }
0xfe: {  	v25 =	vsel vm3, v39, v25;
	v56 =	vpop (erf);
	v55 =	vmul.f32 $4.000000060e-01, v42;
	v34 =	vmul.f32 v52, v34  }
0xff: {  	v28 =	vsel vm5, v58, v28;
	v40 =	vmul.f32 v53, v40;
	v7 =	vmul.f32 v56, v7  }
0x100: {  	v54 =	vadd.f32 $6.666666860e-01, v54;
	v57 =	vpop (erf);
	v39 =	vmul.f32 v3, v3;
	v56 =	vmul.f32 $4.000000060e-01, v37  }
0x101: {  	v51 =	vadd.f32 $6.666666860e-01, v59;
	v53 =	vmul.f32 $4.000000060e-01, v47;
	v8 =	vmul.f32 v57, v8  }
0x102: {  	v49 =	vmul.f32 v6, v6;
	v52 =	vmul.f32 $4.000000060e-01, v48;
	v55 =	vadd.f32 $6.666666860e-01, v55  }
0x103: {  	v44 =	vmul.f32 v54, v44;
	v34 =	vadd.f32 $2.000000000e+00, v34;
	v50 =	vmul.f32 v7, v7  }
0x104: {  	v38 =	vmul.f32 v51, v38;
	v51 =	vmul.f32 $4.000000060e-01, v46;
	v56 =	vadd.f32 $6.666666860e-01, v56  }
0x105: {  	v53 =	vadd.f32 $6.666666860e-01, v53;
	v41 =	vmul.f32 v8, v8;
	v42 =	vmul.f32 v55, v42  }
0x106: {  	v55 =	vmul.f32 $4.000000060e-01, v39;
	v54 =	vmul.f32 $4.000000060e-01, v49;
	v52 =	vadd.f32 $6.666666860e-01, v52  }
0x107: {  	v2 =	vmul.f32 v34, v2;
	v51 =	vadd.f32 $6.666666860e-01, v51;
	v37 =	vmul.f32 v56, v37  }
0x108: {  	v56 =	vmul.f32 $4.000000060e-01, v50;
	v47 =	vmul.f32 v53, v47;
	v38 =	vadd.f32 $2.000000000e+00, v38  }
0x109: {  	v57 =	vmul.f32 $4.000000060e-01, v41;
	v58 =	vadd.f32 $6.666666860e-01, v55;
	v54 =	vadd.f32 $6.666666860e-01, v54  }
0x10a: {  	v48 =	vmul.f32 v52, v48;
	v52 =	vadd.f32 $2.000000000e+00, v44;
	v53 =	vadd.f32 $2.000000000e+00, v42  }
0x10b: {  	v2 =	vsub.f32 v17, v2;
	v42 =	vmax.f32 v43, $0.0e+00;
	v43 =	vmax.f32 v36, $0.0e+00  }
0x10c: {  	v44 =	vmax.f32 v24, $0.0e+00;
	v46 =	vmul.f32 v51, v46;
	v59 =	vadd.f32 $6.666666860e-01, v56  }
0x10d: {  	v0 =	vmul.f32 v38, v0;
	v37 =	vadd.f32 $2.000000000e+00, v37;
	v56 =	vadd.f32 $2.000000000e+00, v47  }
0x10e: {  	v47 =	vmax.f32 v28, $0.0e+00;
	v39 =	vmul.f32 v58, v39;
	v49 =	vmul.f32 v54, v49  }
0x10f: {  	v51 =	vadd.f32 $6.666666860e-01, v57;
	v10 =	vmul.f32 v52, v10;
	v9 =	vmul.f32 v53, v9  }
0x110: {  	v55 =	vadd.f32 $2.000000000e+00, v48;
	v2 =	vmul.f32 v2, v42;
	v52 =	vmax.f32 v32, $0.0e+00  }
0x111: {  	v53 =	vmax.f32 v31, $0.0e+00;
	v50 =	vmul.f32 v59, v50;
	v54 =	vadd.f32 $2.000000000e+00, v46  }
0x112: {  	v11 =	vmul.f32 v37, v11;
	v0 =	vsub.f32 v20, v0;
	v20 =	vmul.f32 v56, v45  }
0x113: {  	v45 =	vmax.f32 v35, $0.0e+00;
	v41 =	vmul.f32 v51, v41;
	v51 =	vadd.f32 $2.000000000e+00, v40  }
0x114: {  	v46 =	vmax.f32 v27, $0.0e+00;
	v57 =	vadd.f32 $2.000000000e+00, v39;
	v58 =	vadd.f32 $2.000000000e+00, v49  }
0x115: {  	v37 =	vld [tilespmem:$0x1FF30];
	v1 =	vmul.f32 v55, v1;
	v9 =	vsub.f32 v16, v9;
	v10 =	vsub.f32 v23, v10  }
0x116: {  	v39 =	vld [tilespmem:$0x1FF60];
	v49 =	vmax.f32 v26, $0.0e+00;
	v33 =	vmul.f32 v54, v33;
	v34 =	vadd.f32 $2.000000000e+00, v50  }
0x117: {  	v40 =	vld [tilespmem:$0x1FF40];
	v11 =	vsub.f32 v18, v11;
	v0 =	vmul.f32 v0, v12;
	v59 =	vadd.f32 $2.000000000e+00, v41  }
0x118: {  	v48 =	vsub.f32 v14, v20;
	v50 =	vmax.f32 v25, $0.0e+00;
	v5 =	vmul.f32 v51, v5;
	v41 =	vld [tilespmem:$0x1FF50]  }
0x119: {  	v54 =	vmax.f32 v29, $0.0e+00;
	v3 =	vmul.f32 v57, v3;
	v8 =	vmul.f32 v59, v8  }
0x11a: {  	v6 =	vmul.f32 v58, v6;
	v10 =	vmul.f32 v10, v43;
	v51 =	vmax.f32 v30, $0.0e+00  }
0x11b: {  	v7 =	vmul.f32 v34, v7;
	v38 =	vsub.f32 v13, v33;
	v8 =	vsub.f32 v39, v8  }
0x11c: {  	v11 =	vmul.f32 v11, v45;
	v1 =	vsub.f32 v37, v1;
	v3 =	vsub.f32 v40, v3  }
0x11d: {  	v7 =	vsub.f32 v63, v7;
	v6 =	vsub.f32 v41, v6;
	v8 =	vmul.f32 v8, v44  }
0x11e: {  	v5 =	vsub.f32 v15, v5;
	v1 =	vmul.f32 v1, v46;
	v3 =	vmul.f32 v3, v47  }
0x11f: {  	v7 =	vmul.f32 v7, v50;
	v6 =	vmul.f32 v6, v49;
	v8 =	vadd.f32 v8, v62  }
0x120: {  	v13 =	vmul.f32 v38, v51;
	v1 =	vadd.f32 v1, v21;
	v3 =	vadd.f32 v3, v22  }
0x121: {  	v6 =	vadd.f32 v6, v19;
	v7 =	vadd.f32 v7, v8;
	v8 =	vmul.f32 v48, v52  }
0x122: {  	v55 =	vmul.f32 v9, v54;
	v1 =	vadd.f32 v10, v1;
	v3 =	vadd.f32 v11, v3  }
0x123: {  	v5 =	vmul.f32 v5, v53;
	v6 =	vadd.f32 v13, v6;
	v7 =	vadd.f32 v8, v7  }
0x124: {  	v0 =	vadd.f32 v0, v1;
	v56 =	vadd.f32 v2, v3  }
0x125: {  	v57 =	vadd.f32 v5, v6;
	v3 =	vadd.f32 v55, v7  }
0x126: {  	v58 =	vld [tilespmem:$0x1FFC0]  }
0x127: {  	v1 =	vadd.f32 v57, v56;
	v0 =	vadd.f32 v0, v3;
	_ =	sdelay $0x1  }
0x128: {  	v0 =	vadd.f32 v1, v0  }
0x129: {  	v59 =	vld [tilespmem:$0x1FFD0]  }
0x12a: {  	v1 =	vperm.xlane v0, v58;
	_ =	sdelay $0x1  }
0x12b: {  	v0 =	vadd.f32 v1, v0  }
0x12c: {  	v62 =	vld [tilespmem:$0x1FFE0]  }
0x12d: {  	v1 =	vperm.xlane v0, v59;
	_ =	sdelay $0x1  }
0x12e: {  	v0 =	vadd.f32 v1, v0  }
0x12f: {  	v63 =	vld [tilespmem:$0x1FFF0]  }
0x130: {  	v1 =	vperm.xlane v0, v62;
	_ =	sdelay $0x1  }
0x131: {  	v0 =	vadd.f32 v1, v0;
	_ =	sdelay $0x1  }
0x132: {  	v1 =	vperm.xlane v0, v63;
	_ =	sdelay $0x1  }
0x133: {  	v0 =	vadd.f32 v1, v0;
	_ =	sdelay $0x1  }
0x134: {  	[tilespmem:$0x1800] =	vst v0  }
0x135: {  	[spmem:s4] =	stream.linear.scatter [tilespmem:s8], [sflag:$0x1], $0x80, $0x38;
	[tilespmem:$0x2110] =	vst v63  }
0x136: {  	_ =	swait.ge [sflag:s7], $0x80  }
0x137: {  	[sflag:s7] =	ssyncset.done $0x0  }
0x138: {  	[sflag:s7] =	ssyncadd.s32 $0xFFFFFF80  }
0x139: {  	s10 =	simm.s32 @!p0 $0x1880;
	[bflag:$0x0] =	sbarrier.arrive $0xFFFF  }
0x13a: {  	[tilespmem:s10], [sflag:$0x1] =	stream.linear.gather @!p0 [spmem:s1], $0x800, $0x38;
	[tilespmem:$0x2110] =	vst v63  }
0x13b: {  	s10 =	simm.s32 @!p0 $0x1  }
0x13c: {  	_ =	swait.ge @!p0 [sflag:s10], $0x800  }
0x13d: {  	[sflag:s10] =	ssyncset.done @!p0 $0x0  }
0x13e: {  	[sflag:s10] =	ssyncadd.s32 @!p0 $0xFFFFF800  }
0x13f: {  	v0 =	vld @!p0 [tilespmem:$0x1880];
	_ =	sdelay $0x1  }
0x140: {  	v1 =	vld @!p0 [tilespmem:$0x1900];
	_ =	sdelay $0x1  }
0x141: {  	v2 =	vld @!p0 [tilespmem:$0x1980]  }
0x142: {  	v0 =	vadd.f32 @!p0 $0.0e+00, v0  }
0x143: {  	v3 =	vld @!p0 [tilespmem:$0x1A00]  }
0x144: {  	v0 =	vadd.f32 @!p0 v1, v0  }
0x145: {  	v1 =	vld @!p0 [tilespmem:$0x1A80]  }
0x146: {  	v0 =	vadd.f32 @!p0 v2, v0  }
0x147: {  	v2 =	vld @!p0 [tilespmem:$0x1B00]  }
0x148: {  	v0 =	vadd.f32 @!p0 v3, v0  }
0x149: {  	v3 =	vld @!p0 [tilespmem:$0x1B80]  }
0x14a: {  	v0 =	vadd.f32 @!p0 v1, v0  }
0x14b: {  	v1 =	vld @!p0 [tilespmem:$0x1C00]  }
0x14c: {  	v0 =	vadd.f32 @!p0 v2, v0  }
0x14d: {  	v2 =	vld @!p0 [tilespmem:$0x1C80]  }
0x14e: {  	v0 =	vadd.f32 @!p0 v3, v0  }
0x14f: {  	v3 =	vld @!p0 [tilespmem:$0x1D00]  }
0x150: {  	v0 =	vadd.f32 @!p0 v1, v0  }
0x151: {  	v1 =	vld @!p0 [tilespmem:$0x1D80]  }
0x152: {  	v0 =	vadd.f32 @!p0 v2, v0  }
0x153: {  	v2 =	vld @!p0 [tilespmem:$0x1E00]  }
0x154: {  	v0 =	vadd.f32 @!p0 v3, v0  }
0x155: {  	v3 =	vld @!p0 [tilespmem:$0x1E80]  }
0x156: {  	v0 =	vadd.f32 @!p0 v1, v0  }
0x157: {  	v1 =	vld @!p0 [tilespmem:$0x1F00]  }
0x158: {  	v0 =	vadd.f32 @!p0 v2, v0  }
0x159: {  	v2 =	vld @!p0 [tilespmem:$0x1F80]  }
0x15a: {  	v0 =	vadd.f32 @!p0 v3, v0  }
0x15b: {  	v3 =	vld @!p0 [tilespmem:$0x2000]  }
0x15c: {  	v0 =	vadd.f32 @!p0 v1, v0;
	_ =	sdelay $0x1  }
0x15d: {  	v0 =	vadd.f32 @!p0 v2, v0;
	_ =	sdelay $0x1  }
0x15e: {  	s9 =	sadd.s32 $0x1, s9;
	v0 =	vadd.f32 @!p0 v3, v0  }
0x15f: {  	p1 =	sne.s32 s9, s6  }
.Ltmp1:
0x160: {  	s11 =	simm.s32 @!p0 $0x0;
	s12 =	simm.s32 @!p0 $0x2090;
	[tilespmem:$0x2090] =	vst @!p0 v0;
	(pc) =	sbr.rel @p1 .LBB2_1-.Ltmp1, $4  }
0x161: {  	[hbm4b:s5+s11] =	stream.linear.scatter @!p0 [tilespmem:s12], [sflag:$0x1], $0x80, $0x38;
	[tilespmem:$0x2110] =	vst v63  }
0x162: {  	_ =	swait.ge @!p0 [sflag:s10], $0x80  }
0x163: {  	[sflag:s10] =	ssyncset.done @!p0 $0x0  }
0x164: {  	[sflag:s10] =	ssyncadd.s32 @!p0 $0xFFFFFF80  }
0x165: {  	_ =	sfence.sel $0x180000  }
0x166: {  	[bflag:$0x0] =	sbarrier.arrive $0xFFFF  }
0x167: {  	_ =	strace $0x90000047  }
0x168: {  	s0 =	sadd.s32 @!p0 $0x100000, s0;
	[bflag:$0x2] =	sbarrier.arrive $0xFFFF  }
0x169: {  	[sflag:s0] =	ssyncadd.tile.s32 @!p0 $0x1;
	_ =	shalt  }
.Lfunc_end2:
_tile_overlayer_lowered:
.L_overlay_start_2:
0x16a: {  	(tag) =	ssettag $0x2  }
0x16b: {  	s0 =	rddreg [dreg:$0x0];
	s2 =	stileid.u32  }
0x16c: {  	s1 =	rddreg [dreg:$0x1];
	p0 =	sne.s32 s2, $0x0  }
0x16d: {  	s3 =	rddreg [dreg:$0x2];
	[bflag:$0x3] =	sbarrier.arrive $0xFFFF;
	s2 =	simm.s32 @!p0 $0x1C01  }
0x16e: {  	[timem:s3], [sflag:s2] =	dma.local @!p0 [hbm:s0], s1  }
0x16f: {  	s0 =	simm.s32 @!p0 $0x1  }
0x170: {  	_ =	swait.ge @!p0 [sflag:s0], s1  }
0x171: {  	s1 =	ssub.s32 @!p0 $0x0, s1;
	[sflag:s0] =	ssyncset.done @!p0 $0x0  }
0x172: {  	[sflag:s0] =	ssyncadd.s32 @!p0 s1  }
0x173: {  	[bflag:$0x3] =	sbarrier.arrive $0xFFFF  }
0x174: {  	_ =	shalt  }

</sc_bundles>
